<compile_context>
chip_gen: v7x
topology: tpu7x:2x2x1
jax: 0.10.2.dev20260603
libtpu: 0.0.44.dev20260713+nightly
codegen_flags: <defaults>
</compile_context>

<pallas_src>
import functools

import jax
import jax.numpy as jnp
from jax import lax
from jax.experimental import pallas as pl
from jax.experimental.pallas import tpu as pltpu
from jax.experimental.pallas import tpu_sc as plsc

Q = 4096
KEYS = 65536
D = 768
TOPK = 4

QB = 512
KB = 2048

SC_CORES = 2
SC_SUBCORES = 16
SC_WORKERS = SC_CORES * SC_SUBCORES
GATHER_ROWS = Q * TOPK
ROWS_PER_WORKER = GATHER_ROWS // SC_WORKERS
CHUNK = 64
NCHUNKS = ROWS_PER_WORKER // CHUNK



def _topk_body(z_ref, tgt_ref, cv_ref, cp_ref, tn_s, cvs, cps):
    kb = pl.program_id(0)
    qb = pl.program_id(1)

    @pl.when(qb == 0)
    def _():
        t = tgt_ref[...]
        tn_s[...] = t * lax.rsqrt(jnp.sum(t * t, axis=-1, keepdims=True) + 1e-8)

    z = z_ref[...]
    zn = z * lax.rsqrt(jnp.sum(z * z, axis=-1, keepdims=True) + 1e-8)
    sim = lax.dot_general(zn, tn_s[...], (((1,), (1,)), ((), ())),
                          preferred_element_type=jnp.float32)

    colf = lax.broadcasted_iota(jnp.int32, (QB, KB), 1).astype(jnp.float32)
    basef = (pl.program_id(0) * KB).astype(jnp.float32)
    tvs, tis = [], []
    s = sim
    for _ in range(TOPK):
        m = jnp.max(s, axis=1, keepdims=True)
        pick = jnp.min(jnp.where(s == m, colf, float(KEYS)), axis=1, keepdims=True)
        tvs.append(m)
        tis.append(pick + basef)
        s = jnp.where(colf == pick, -jnp.inf, s)

    nc = pl.num_programs(0) * TOPK
    lane = lax.broadcasted_iota(jnp.int32, (QB, nc), 1)
    vacc = cvs[pl.ds(qb * QB, QB), :]
    iacc = cps[pl.ds(qb * QB, QB), :]
    for r in range(TOPK):
        vacc = jnp.where(lane == kb * TOPK + r, tvs[r], vacc)
        iacc = jnp.where(lane == kb * TOPK + r, tis[r], iacc)
    cvs[pl.ds(qb * QB, QB), :] = vacc
    cps[pl.ds(qb * QB, QB), :] = iacc

    @pl.when(kb == pl.num_programs(0) - 1)
    def _():
        cv_ref[...] = vacc
        cp_ref[...] = iacc


def _topk_call(z, tgt):
    nkb = KEYS // KB
    return pl.pallas_call(
        _topk_body,
        grid=(nkb, Q // QB),
        in_specs=[
            pl.BlockSpec((QB, D), lambda kb, qb: (qb, 0)),
            pl.BlockSpec((KB, D), lambda kb, qb: (kb, 0)),
        ],
        out_specs=[
            pl.BlockSpec((QB, nkb * TOPK), lambda kb, qb: (qb, 0)),
            pl.BlockSpec((QB, nkb * TOPK), lambda kb, qb: (qb, 0)),
        ],
        out_shape=[
            jax.ShapeDtypeStruct((Q, nkb * TOPK), jnp.float32),
            jax.ShapeDtypeStruct((Q, nkb * TOPK), jnp.float32),
        ],
        scratch_shapes=[
            pltpu.VMEM((KB, D), jnp.float32),
            pltpu.VMEM((Q, nkb * TOPK), jnp.float32),
            pltpu.VMEM((Q, nkb * TOPK), jnp.float32),
        ],
    )(z, tgt)


def _merge_body(cv_ref, cp_ref, idx_ref):
    v = cv_ref[...]
    gi = cp_ref[...]
    outs = []
    for _ in range(TOPK):
        m = jnp.max(v, axis=1, keepdims=True)
        pickid = jnp.min(jnp.where(v == m, gi, float(2 * KEYS)), axis=1,
                         keepdims=True)
        outs.append(pickid)
        v = jnp.where(gi == pickid, -jnp.inf, v)
    idx_ref[...] = jnp.concatenate(outs, axis=1).astype(jnp.int32)


def _merge_call(cv2, cp2):
    nc = (KEYS // KB) * TOPK
    return pl.pallas_call(
        _merge_body,
        grid=(Q // QB,),
        in_specs=[
            pl.BlockSpec((QB, nc), lambda q: (q, 0)),
            pl.BlockSpec((QB, nc), lambda q: (q, 0)),
        ],
        out_specs=pl.BlockSpec((QB, TOPK), lambda q: (q, 0)),
        out_shape=jax.ShapeDtypeStruct((Q, TOPK), jnp.int32),
    )(cv2, cp2)



def _gather_body(tgt_hbm, idx_hbm, out_hbm, idx_v, rows0, rows1, sem0, sem1):
    wid = lax.axis_index("s") * SC_CORES + lax.axis_index("c")
    base = wid * ROWS_PER_WORKER
    pltpu.sync_copy(idx_hbm.at[pl.ds(base, ROWS_PER_WORKER)], idx_v)
    bufs = (rows0, rows1)
    sems = (sem0, sem1)
    prev = pltpu.async_copy(tgt_hbm.at[idx_v.at[pl.ds(0, CHUNK)]], rows0, sem0)
    for c in range(1, NCHUNKS + 1):
        if c < NCHUNKS:
            cur = pltpu.async_copy(
                tgt_hbm.at[idx_v.at[pl.ds(c * CHUNK, CHUNK)]],
                bufs[c % 2], sems[c % 2])
        prev.wait()
        pltpu.sync_copy(bufs[(c - 1) % 2],
                        out_hbm.at[pl.ds(base + (c - 1) * CHUNK, CHUNK)])
        if c < NCHUNKS:
            prev = cur


def _gather_call(tgt, idx_flat):
    fn = functools.partial(
        pl.kernel,
        mesh=plsc.VectorSubcoreMesh(core_axis_name="c", subcore_axis_name="s"),
        out_type=jax.ShapeDtypeStruct((GATHER_ROWS, D), jnp.float32),
        scratch_types=[
            pltpu.VMEM((ROWS_PER_WORKER,), jnp.int32),
            pltpu.VMEM((CHUNK, D), jnp.float32),
            pltpu.VMEM((CHUNK, D), jnp.float32),
            pltpu.SemaphoreType.DMA,
            pltpu.SemaphoreType.DMA,
        ],
    )(_gather_body)
    return fn(tgt, idx_flat)



def _mean_body(g_ref, o_ref):
    g = g_ref[...]
    o_ref[...] = (g[:, :D] + g[:, D:2 * D] + g[:, 2 * D:3 * D] + g[:, 3 * D:]) * 0.25


def _mean_call(g2):
    return pl.pallas_call(
        _mean_body,
        grid=(Q // QB,),
        in_specs=[pl.BlockSpec((QB, TOPK * D), lambda i: (i, 0))],
        out_specs=pl.BlockSpec((QB, D), lambda i: (i, 0)),
        out_shape=jax.ShapeDtypeStruct((Q, D), jnp.float32),
    )(g2)



def kernel(z, tgt, k):
    del k
    cv, cp = _topk_call(z, tgt)
    idx = _merge_call(cv, cp)
    g = _gather_call(tgt, idx.reshape(GATHER_ROWS))
    return _mean_call(g.reshape(Q, TOPK * D))

# --- scband reference (transcript-rebuilt; emitter-appended) ---
"""Pipeline reference for scband-convertor-6090263625890 (READ-ONLY COPY).

The authoritative reference and input builder live on the scoring server;
editing this copy changes nothing except your own understanding.
"""

import jax, jax.numpy as jnp
import numpy as np


def setup_inputs(seed: int = 0) -> dict:
    key = jax.random.key(seed)
    k1, k2 = jax.random.split(key)
    z = jax.random.normal(k1, (4096, 768), dtype=jnp.float32)
    tgt = jax.random.normal(k2, (65536, 768), dtype=jnp.float32)
    return {"z": z, "tgt": tgt, "k": 4}


def reference(z, tgt, k):
    # match_features: kNN retrieval of target-speaker features for each source frame.
    # cosine similarity between L2-normalized source frames and target frames,
    # top-k nearest target frames, replace each source frame with their mean.
    k_static = 4
    zn = z * jax.lax.rsqrt(jnp.sum(z * z, axis=-1, keepdims=True) + 1e-8)
    tn = tgt * jax.lax.rsqrt(jnp.sum(tgt * tgt, axis=-1, keepdims=True) + 1e-8)
    sim = zn @ tn.T                      # [Q, K] cosine similarity
    vals, idx = jax.lax.top_k(sim, k_static)  # [Q, k]
    neigh = jnp.take(tgt, idx, axis=0)   # [Q, k, d] gather winning key rows
    out = jnp.sum(neigh, axis=1) / k     # [Q, d] matched features
    return out

if __name__ == "__main__":
    import jax
    _d = setup_inputs()
    print(jax.jit(kernel)(*tuple(_d.values())))

</pallas_src>

<mosaic_0001>
#map = affine_map<(d0, d1) -> (0, 0)>
#map1 = affine_map<(d0, d1) -> (0)>
module attributes {stable_mosaic.version = 14 : i64} {
  func.func @_gather_body(%arg0: i32, %arg1: i32, %arg2: memref<65536x768xf32, #tpu.memory_space<hbm>>, %arg3: memref<16384xi32, #tpu.memory_space<hbm>>, %arg4: memref<16384x768xf32, #tpu.memory_space<hbm>>, %arg5: memref<512xi32, #tpu.memory_space<vmem>>, %arg6: memref<64x768xf32, #tpu.memory_space<vmem>>, %arg7: memref<64x768xf32, #tpu.memory_space<vmem>>, %arg8: memref<!tpu.dma_semaphore, #tpu.memory_space<semaphore_mem>>, %arg9: memref<!tpu.dma_semaphore, #tpu.memory_space<semaphore_mem>>) attributes {dimension_semantics = [#tpu.dimension_semantics<core_parallel>, #tpu.dimension_semantics<subcore_parallel>], iteration_bounds = array<i64: 2, 16>, scalar_prefetch = 0 : i64, scratch_operands = 5 : i64, tpu.core_type = #tpu.core_type<sc_vector_subcore>, window_params = [{transform_indices = #map}, {transform_indices = #map1}, {transform_indices = #map}]} {
    %mul3A = arith.constant 2 : i32
    %mul3A_0 = arith.muli %arg1, %mul3A : i32
    %add3A = arith.addi %mul3A_0, %arg0 : i32
    %mul3A_1 = arith.constant 512 : i32
    %mul3A_2 = arith.muli %add3A, %mul3A_1 : i32
    "tpu.region"() ({
      %run_scoped3A = tpu.sem_alloc : memref<!tpu.dma_semaphore, #tpu.memory_space<semaphore_mem>>
      %dma_start3A_97 = tpu.memref_slice %arg3[%mul3A_2] : memref<16384xi32, #tpu.memory_space<hbm>> -> memref<512xi32, #tpu.memory_space<hbm>>
      %dma_start3A_98 = tpu.memref_slice %arg3[%mul3A_2] : memref<16384xi32, #tpu.memory_space<hbm>> -> memref<512xi32, #tpu.memory_space<hbm>>
      tpu.enqueue_dma source(%dma_start3A_98 : memref<512xi32, #tpu.memory_space<hbm>>) target(%arg5 : memref<512xi32, #tpu.memory_space<vmem>>) target_semaphore(%run_scoped3A : memref<!tpu.dma_semaphore, #tpu.memory_space<semaphore_mem>>)
      %dma_wait3A_99 = tpu.memref_slice %arg3[%mul3A_2] : memref<16384xi32, #tpu.memory_space<hbm>> -> memref<512xi32, #tpu.memory_space<hbm>>
      %dma_wait3A_100 = tpu.memref_slice %arg3[%mul3A_2] : memref<16384xi32, #tpu.memory_space<hbm>> -> memref<512xi32, #tpu.memory_space<hbm>>
      tpu.wait_dma2 semaphore(%run_scoped3A : memref<!tpu.dma_semaphore, #tpu.memory_space<semaphore_mem>>) src(%dma_wait3A_100 : memref<512xi32, #tpu.memory_space<hbm>>) dst(%arg5 : memref<512xi32, #tpu.memory_space<vmem>>)
      tpu.yield
    }) : () -> ()
    %dma_start3A = arith.constant 0 : i32
    %dma_start3A_3 = tpu.memref_slice %arg5[%dma_start3A] : memref<512xi32, #tpu.memory_space<vmem>> -> memref<64xi32, #tpu.memory_space<vmem>>
    %dma_start3A_4 = arith.constant 0 : i32
    %dma_start3A_5 = arith.constant 0 : i32
    %dma_start3A_6 = tpu.memref_slice %arg2[%dma_start3A_4, %dma_start3A_5] : memref<65536x768xf32, #tpu.memory_space<hbm>> -> memref<65536x768xf32, #tpu.memory_space<hbm>>
    tpu.enqueue_indirect_dma source(%dma_start3A_6 : memref<65536x768xf32, #tpu.memory_space<hbm>>) target(%arg6 : memref<64x768xf32, #tpu.memory_space<vmem>>) offsets(%dma_start3A_3 : memref<64xi32, #tpu.memory_space<vmem>>) semaphore(%arg8 : memref<!tpu.dma_semaphore, #tpu.memory_space<semaphore_mem>>)
    %dma_start3A_7 = arith.constant 64 : i32
    %dma_start3A_8 = tpu.memref_slice %arg5[%dma_start3A_7] : memref<512xi32, #tpu.memory_space<vmem>> -> memref<64xi32, #tpu.memory_space<vmem>>
    %dma_start3A_9 = arith.constant 0 : i32
    %dma_start3A_10 = arith.constant 0 : i32
    %dma_start3A_11 = tpu.memref_slice %arg2[%dma_start3A_9, %dma_start3A_10] : memref<65536x768xf32, #tpu.memory_space<hbm>> -> memref<65536x768xf32, #tpu.memory_space<hbm>>
    tpu.enqueue_indirect_dma source(%dma_start3A_11 : memref<65536x768xf32, #tpu.memory_space<hbm>>) target(%arg7 : memref<64x768xf32, #tpu.memory_space<vmem>>) offsets(%dma_start3A_8 : memref<64xi32, #tpu.memory_space<vmem>>) semaphore(%arg9 : memref<!tpu.dma_semaphore, #tpu.memory_space<semaphore_mem>>)
    %dma_wait3A = arith.constant 0 : i32
    %dma_wait3A_12 = tpu.memref_slice %arg5[%dma_wait3A] : memref<512xi32, #tpu.memory_space<vmem>> -> memref<64xi32, #tpu.memory_space<vmem>>
    %dma_wait3A_13 = arith.constant 0 : i32
    %dma_wait3A_14 = arith.constant 0 : i32
    %dma_wait3A_15 = tpu.memref_slice %arg2[%dma_wait3A_13, %dma_wait3A_14] : memref<65536x768xf32, #tpu.memory_space<hbm>> -> memref<65536x768xf32, #tpu.memory_space<hbm>>
    tpu.wait_indirect_dma semaphore(%arg8 : memref<!tpu.dma_semaphore, #tpu.memory_space<semaphore_mem>>) src(%dma_wait3A_15 : memref<65536x768xf32, #tpu.memory_space<hbm>>) dst(%arg6 : memref<64x768xf32, #tpu.memory_space<vmem>>)
    %add3A_16 = arith.constant 0 : i32
    %add3A_17 = arith.addi %mul3A_2, %add3A_16 : i32
    "tpu.region"() ({
      %run_scoped3A = tpu.sem_alloc : memref<!tpu.dma_semaphore, #tpu.memory_space<semaphore_mem>>
      %dma_start3A_97 = arith.constant 0 : i32
      %dma_start3A_98 = tpu.memref_slice %arg4[%add3A_17, %dma_start3A_97] : memref<16384x768xf32, #tpu.memory_space<hbm>> -> memref<64x768xf32, #tpu.memory_space<hbm>>
      %dma_start3A_99 = arith.constant 0 : i32
      %dma_start3A_100 = tpu.memref_slice %arg4[%add3A_17, %dma_start3A_99] : memref<16384x768xf32, #tpu.memory_space<hbm>> -> memref<64x768xf32, #tpu.memory_space<hbm>>
      tpu.enqueue_dma source(%arg6 : memref<64x768xf32, #tpu.memory_space<vmem>>) target(%dma_start3A_100 : memref<64x768xf32, #tpu.memory_space<hbm>>) target_semaphore(%run_scoped3A : memref<!tpu.dma_semaphore, #tpu.memory_space<semaphore_mem>>)
      %dma_wait3A_101 = arith.constant 0 : i32
      %dma_wait3A_102 = tpu.memref_slice %arg4[%add3A_17, %dma_wait3A_101] : memref<16384x768xf32, #tpu.memory_space<hbm>> -> memref<64x768xf32, #tpu.memory_space<hbm>>
      %dma_wait3A_103 = arith.constant 0 : i32
      %dma_wait3A_104 = tpu.memref_slice %arg4[%add3A_17, %dma_wait3A_103] : memref<16384x768xf32, #tpu.memory_space<hbm>> -> memref<64x768xf32, #tpu.memory_space<hbm>>
      tpu.wait_dma2 semaphore(%run_scoped3A : memref<!tpu.dma_semaphore, #tpu.memory_space<semaphore_mem>>) src(%arg6 : memref<64x768xf32, #tpu.memory_space<vmem>>) dst(%dma_wait3A_104 : memref<64x768xf32, #tpu.memory_space<hbm>>)
      tpu.yield
    }) : () -> ()
    %dma_start3A_18 = arith.constant 128 : i32
    %dma_start3A_19 = tpu.memref_slice %arg5[%dma_start3A_18] : memref<512xi32, #tpu.memory_space<vmem>> -> memref<64xi32, #tpu.memory_space<vmem>>
    %dma_start3A_20 = arith.constant 0 : i32
    %dma_start3A_21 = arith.constant 0 : i32
    %dma_start3A_22 = tpu.memref_slice %arg2[%dma_start3A_20, %dma_start3A_21] : memref<65536x768xf32, #tpu.memory_space<hbm>> -> memref<65536x768xf32, #tpu.memory_space<hbm>>
    tpu.enqueue_indirect_dma source(%dma_start3A_22 : memref<65536x768xf32, #tpu.memory_space<hbm>>) target(%arg6 : memref<64x768xf32, #tpu.memory_space<vmem>>) offsets(%dma_start3A_19 : memref<64xi32, #tpu.memory_space<vmem>>) semaphore(%arg8 : memref<!tpu.dma_semaphore, #tpu.memory_space<semaphore_mem>>)
    %dma_wait3A_23 = arith.constant 64 : i32
    %dma_wait3A_24 = tpu.memref_slice %arg5[%dma_wait3A_23] : memref<512xi32, #tpu.memory_space<vmem>> -> memref<64xi32, #tpu.memory_space<vmem>>
    %dma_wait3A_25 = arith.constant 0 : i32
    %dma_wait3A_26 = arith.constant 0 : i32
    %dma_wait3A_27 = tpu.memref_slice %arg2[%dma_wait3A_25, %dma_wait3A_26] : memref<65536x768xf32, #tpu.memory_space<hbm>> -> memref<65536x768xf32, #tpu.memory_space<hbm>>
    tpu.wait_indirect_dma semaphore(%arg9 : memref<!tpu.dma_semaphore, #tpu.memory_space<semaphore_mem>>) src(%dma_wait3A_27 : memref<65536x768xf32, #tpu.memory_space<hbm>>) dst(%arg7 : memref<64x768xf32, #tpu.memory_space<vmem>>)
    %add3A_28 = arith.constant 64 : i32
    %add3A_29 = arith.addi %mul3A_2, %add3A_28 : i32
    "tpu.region"() ({
      %run_scoped3A = tpu.sem_alloc : memref<!tpu.dma_semaphore, #tpu.memory_space<semaphore_mem>>
      %dma_start3A_97 = arith.constant 0 : i32
      %dma_start3A_98 = tpu.memref_slice %arg4[%add3A_29, %dma_start3A_97] : memref<16384x768xf32, #tpu.memory_space<hbm>> -> memref<64x768xf32, #tpu.memory_space<hbm>>
      %dma_start3A_99 = arith.constant 0 : i32
      %dma_start3A_100 = tpu.memref_slice %arg4[%add3A_29, %dma_start3A_99] : memref<16384x768xf32, #tpu.memory_space<hbm>> -> memref<64x768xf32, #tpu.memory_space<hbm>>
      tpu.enqueue_dma source(%arg7 : memref<64x768xf32, #tpu.memory_space<vmem>>) target(%dma_start3A_100 : memref<64x768xf32, #tpu.memory_space<hbm>>) target_semaphore(%run_scoped3A : memref<!tpu.dma_semaphore, #tpu.memory_space<semaphore_mem>>)
      %dma_wait3A_101 = arith.constant 0 : i32
      %dma_wait3A_102 = tpu.memref_slice %arg4[%add3A_29, %dma_wait3A_101] : memref<16384x768xf32, #tpu.memory_space<hbm>> -> memref<64x768xf32, #tpu.memory_space<hbm>>
      %dma_wait3A_103 = arith.constant 0 : i32
      %dma_wait3A_104 = tpu.memref_slice %arg4[%add3A_29, %dma_wait3A_103] : memref<16384x768xf32, #tpu.memory_space<hbm>> -> memref<64x768xf32, #tpu.memory_space<hbm>>
      tpu.wait_dma2 semaphore(%run_scoped3A : memref<!tpu.dma_semaphore, #tpu.memory_space<semaphore_mem>>) src(%arg7 : memref<64x768xf32, #tpu.memory_space<vmem>>) dst(%dma_wait3A_104 : memref<64x768xf32, #tpu.memory_space<hbm>>)
      tpu.yield
    }) : () -> ()
    %dma_start3A_30 = arith.constant 192 : i32
    %dma_start3A_31 = tpu.memref_slice %arg5[%dma_start3A_30] : memref<512xi32, #tpu.memory_space<vmem>> -> memref<64xi32, #tpu.memory_space<vmem>>
    %dma_start3A_32 = arith.constant 0 : i32
    %dma_start3A_33 = arith.constant 0 : i32
    %dma_start3A_34 = tpu.memref_slice %arg2[%dma_start3A_32, %dma_start3A_33] : memref<65536x768xf32, #tpu.memory_space<hbm>> -> memref<65536x768xf32, #tpu.memory_space<hbm>>
    tpu.enqueue_indirect_dma source(%dma_start3A_34 : memref<65536x768xf32, #tpu.memory_space<hbm>>) target(%arg7 : memref<64x768xf32, #tpu.memory_space<vmem>>) offsets(%dma_start3A_31 : memref<64xi32, #tpu.memory_space<vmem>>) semaphore(%arg9 : memref<!tpu.dma_semaphore, #tpu.memory_space<semaphore_mem>>)
    %dma_wait3A_35 = arith.constant 128 : i32
    %dma_wait3A_36 = tpu.memref_slice %arg5[%dma_wait3A_35] : memref<512xi32, #tpu.memory_space<vmem>> -> memref<64xi32, #tpu.memory_space<vmem>>
    %dma_wait3A_37 = arith.constant 0 : i32
    %dma_wait3A_38 = arith.constant 0 : i32
    %dma_wait3A_39 = tpu.memref_slice %arg2[%dma_wait3A_37, %dma_wait3A_38] : memref<65536x768xf32, #tpu.memory_space<hbm>> -> memref<65536x768xf32, #tpu.memory_space<hbm>>
    tpu.wait_indirect_dma semaphore(%arg8 : memref<!tpu.dma_semaphore, #tpu.memory_space<semaphore_mem>>) src(%dma_wait3A_39 : memref<65536x768xf32, #tpu.memory_space<hbm>>) dst(%arg6 : memref<64x768xf32, #tpu.memory_space<vmem>>)
    %add3A_40 = arith.constant 128 : i32
    %add3A_41 = arith.addi %mul3A_2, %add3A_40 : i32
    "tpu.region"() ({
      %run_scoped3A = tpu.sem_alloc : memref<!tpu.dma_semaphore, #tpu.memory_space<semaphore_mem>>
      %dma_start3A_97 = arith.constant 0 : i32
      %dma_start3A_98 = tpu.memref_slice %arg4[%add3A_41, %dma_start3A_97] : memref<16384x768xf32, #tpu.memory_space<hbm>> -> memref<64x768xf32, #tpu.memory_space<hbm>>
      %dma_start3A_99 = arith.constant 0 : i32
      %dma_start3A_100 = tpu.memref_slice %arg4[%add3A_41, %dma_start3A_99] : memref<16384x768xf32, #tpu.memory_space<hbm>> -> memref<64x768xf32, #tpu.memory_space<hbm>>
      tpu.enqueue_dma source(%arg6 : memref<64x768xf32, #tpu.memory_space<vmem>>) target(%dma_start3A_100 : memref<64x768xf32, #tpu.memory_space<hbm>>) target_semaphore(%run_scoped3A : memref<!tpu.dma_semaphore, #tpu.memory_space<semaphore_mem>>)
      %dma_wait3A_101 = arith.constant 0 : i32
      %dma_wait3A_102 = tpu.memref_slice %arg4[%add3A_41, %dma_wait3A_101] : memref<16384x768xf32, #tpu.memory_space<hbm>> -> memref<64x768xf32, #tpu.memory_space<hbm>>
      %dma_wait3A_103 = arith.constant 0 : i32
      %dma_wait3A_104 = tpu.memref_slice %arg4[%add3A_41, %dma_wait3A_103] : memref<16384x768xf32, #tpu.memory_space<hbm>> -> memref<64x768xf32, #tpu.memory_space<hbm>>
      tpu.wait_dma2 semaphore(%run_scoped3A : memref<!tpu.dma_semaphore, #tpu.memory_space<semaphore_mem>>) src(%arg6 : memref<64x768xf32, #tpu.memory_space<vmem>>) dst(%dma_wait3A_104 : memref<64x768xf32, #tpu.memory_space<hbm>>)
      tpu.yield
    }) : () -> ()
    %dma_start3A_42 = arith.constant 256 : i32
    %dma_start3A_43 = tpu.memref_slice %arg5[%dma_start3A_42] : memref<512xi32, #tpu.memory_space<vmem>> -> memref<64xi32, #tpu.memory_space<vmem>>
    %dma_start3A_44 = arith.constant 0 : i32
    %dma_start3A_45 = arith.constant 0 : i32
    %dma_start3A_46 = tpu.memref_slice %arg2[%dma_start3A_44, %dma_start3A_45] : memref<65536x768xf32, #tpu.memory_space<hbm>> -> memref<65536x768xf32, #tpu.memory_space<hbm>>
    tpu.enqueue_indirect_dma source(%dma_start3A_46 : memref<65536x768xf32, #tpu.memory_space<hbm>>) target(%arg6 : memref<64x768xf32, #tpu.memory_space<vmem>>) offsets(%dma_start3A_43 : memref<64xi32, #tpu.memory_space<vmem>>) semaphore(%arg8 : memref<!tpu.dma_semaphore, #tpu.memory_space<semaphore_mem>>)
    %dma_wait3A_47 = arith.constant 192 : i32
    %dma_wait3A_48 = tpu.memref_slice %arg5[%dma_wait3A_47] : memref<512xi32, #tpu.memory_space<vmem>> -> memref<64xi32, #tpu.memory_space<vmem>>
    %dma_wait3A_49 = arith.constant 0 : i32
    %dma_wait3A_50 = arith.constant 0 : i32
    %dma_wait3A_51 = tpu.memref_slice %arg2[%dma_wait3A_49, %dma_wait3A_50] : memref<65536x768xf32, #tpu.memory_space<hbm>> -> memref<65536x768xf32, #tpu.memory_space<hbm>>
    tpu.wait_indirect_dma semaphore(%arg9 : memref<!tpu.dma_semaphore, #tpu.memory_space<semaphore_mem>>) src(%dma_wait3A_51 : memref<65536x768xf32, #tpu.memory_space<hbm>>) dst(%arg7 : memref<64x768xf32, #tpu.memory_space<vmem>>)
    %add3A_52 = arith.constant 192 : i32
    %add3A_53 = arith.addi %mul3A_2, %add3A_52 : i32
    "tpu.region"() ({
      %run_scoped3A = tpu.sem_alloc : memref<!tpu.dma_semaphore, #tpu.memory_space<semaphore_mem>>
      %dma_start3A_97 = arith.constant 0 : i32
      %dma_start3A_98 = tpu.memref_slice %arg4[%add3A_53, %dma_start3A_97] : memref<16384x768xf32, #tpu.memory_space<hbm>> -> memref<64x768xf32, #tpu.memory_space<hbm>>
      %dma_start3A_99 = arith.constant 0 : i32
      %dma_start3A_100 = tpu.memref_slice %arg4[%add3A_53, %dma_start3A_99] : memref<16384x768xf32, #tpu.memory_space<hbm>> -> memref<64x768xf32, #tpu.memory_space<hbm>>
      tpu.enqueue_dma source(%arg7 : memref<64x768xf32, #tpu.memory_space<vmem>>) target(%dma_start3A_100 : memref<64x768xf32, #tpu.memory_space<hbm>>) target_semaphore(%run_scoped3A : memref<!tpu.dma_semaphore, #tpu.memory_space<semaphore_mem>>)
      %dma_wait3A_101 = arith.constant 0 : i32
      %dma_wait3A_102 = tpu.memref_slice %arg4[%add3A_53, %dma_wait3A_101] : memref<16384x768xf32, #tpu.memory_space<hbm>> -> memref<64x768xf32, #tpu.memory_space<hbm>>
      %dma_wait3A_103 = arith.constant 0 : i32
      %dma_wait3A_104 = tpu.memref_slice %arg4[%add3A_53, %dma_wait3A_103] : memref<16384x768xf32, #tpu.memory_space<hbm>> -> memref<64x768xf32, #tpu.memory_space<hbm>>
      tpu.wait_dma2 semaphore(%run_scoped3A : memref<!tpu.dma_semaphore, #tpu.memory_space<semaphore_mem>>) src(%arg7 : memref<64x768xf32, #tpu.memory_space<vmem>>) dst(%dma_wait3A_104 : memref<64x768xf32, #tpu.memory_space<hbm>>)
      tpu.yield
    }) : () -> ()
    %dma_start3A_54 = arith.constant 320 : i32
    %dma_start3A_55 = tpu.memref_slice %arg5[%dma_start3A_54] : memref<512xi32, #tpu.memory_space<vmem>> -> memref<64xi32, #tpu.memory_space<vmem>>
    %dma_start3A_56 = arith.constant 0 : i32
    %dma_start3A_57 = arith.constant 0 : i32
    %dma_start3A_58 = tpu.memref_slice %arg2[%dma_start3A_56, %dma_start3A_57] : memref<65536x768xf32, #tpu.memory_space<hbm>> -> memref<65536x768xf32, #tpu.memory_space<hbm>>
    tpu.enqueue_indirect_dma source(%dma_start3A_58 : memref<65536x768xf32, #tpu.memory_space<hbm>>) target(%arg7 : memref<64x768xf32, #tpu.memory_space<vmem>>) offsets(%dma_start3A_55 : memref<64xi32, #tpu.memory_space<vmem>>) semaphore(%arg9 : memref<!tpu.dma_semaphore, #tpu.memory_space<semaphore_mem>>)
    %dma_wait3A_59 = arith.constant 256 : i32
    %dma_wait3A_60 = tpu.memref_slice %arg5[%dma_wait3A_59] : memref<512xi32, #tpu.memory_space<vmem>> -> memref<64xi32, #tpu.memory_space<vmem>>
    %dma_wait3A_61 = arith.constant 0 : i32
    %dma_wait3A_62 = arith.constant 0 : i32
    %dma_wait3A_63 = tpu.memref_slice %arg2[%dma_wait3A_61, %dma_wait3A_62] : memref<65536x768xf32, #tpu.memory_space<hbm>> -> memref<65536x768xf32, #tpu.memory_space<hbm>>
    tpu.wait_indirect_dma semaphore(%arg8 : memref<!tpu.dma_semaphore, #tpu.memory_space<semaphore_mem>>) src(%dma_wait3A_63 : memref<65536x768xf32, #tpu.memory_space<hbm>>) dst(%arg6 : memref<64x768xf32, #tpu.memory_space<vmem>>)
    %add3A_64 = arith.constant 256 : i32
    %add3A_65 = arith.addi %mul3A_2, %add3A_64 : i32
    "tpu.region"() ({
      %run_scoped3A = tpu.sem_alloc : memref<!tpu.dma_semaphore, #tpu.memory_space<semaphore_mem>>
      %dma_start3A_97 = arith.constant 0 : i32
      %dma_start3A_98 = tpu.memref_slice %arg4[%add3A_65, %dma_start3A_97] : memref<16384x768xf32, #tpu.memory_space<hbm>> -> memref<64x768xf32, #tpu.memory_space<hbm>>
      %dma_start3A_99 = arith.constant 0 : i32
      %dma_start3A_100 = tpu.memref_slice %arg4[%add3A_65, %dma_start3A_99] : memref<16384x768xf32, #tpu.memory_space<hbm>> -> memref<64x768xf32, #tpu.memory_space<hbm>>
      tpu.enqueue_dma source(%arg6 : memref<64x768xf32, #tpu.memory_space<vmem>>) target(%dma_start3A_100 : memref<64x768xf32, #tpu.memory_space<hbm>>) target_semaphore(%run_scoped3A : memref<!tpu.dma_semaphore, #tpu.memory_space<semaphore_mem>>)
      %dma_wait3A_101 = arith.constant 0 : i32
      %dma_wait3A_102 = tpu.memref_slice %arg4[%add3A_65, %dma_wait3A_101] : memref<16384x768xf32, #tpu.memory_space<hbm>> -> memref<64x768xf32, #tpu.memory_space<hbm>>
      %dma_wait3A_103 = arith.constant 0 : i32
      %dma_wait3A_104 = tpu.memref_slice %arg4[%add3A_65, %dma_wait3A_103] : memref<16384x768xf32, #tpu.memory_space<hbm>> -> memref<64x768xf32, #tpu.memory_space<hbm>>
      tpu.wait_dma2 semaphore(%run_scoped3A : memref<!tpu.dma_semaphore, #tpu.memory_space<semaphore_mem>>) src(%arg6 : memref<64x768xf32, #tpu.memory_space<vmem>>) dst(%dma_wait3A_104 : memref<64x768xf32, #tpu.memory_space<hbm>>)
      tpu.yield
    }) : () -> ()
    %dma_start3A_66 = arith.constant 384 : i32
    %dma_start3A_67 = tpu.memref_slice %arg5[%dma_start3A_66] : memref<512xi32, #tpu.memory_space<vmem>> -> memref<64xi32, #tpu.memory_space<vmem>>
    %dma_start3A_68 = arith.constant 0 : i32
    %dma_start3A_69 = arith.constant 0 : i32
    %dma_start3A_70 = tpu.memref_slice %arg2[%dma_start3A_68, %dma_start3A_69] : memref<65536x768xf32, #tpu.memory_space<hbm>> -> memref<65536x768xf32, #tpu.memory_space<hbm>>
    tpu.enqueue_indirect_dma source(%dma_start3A_70 : memref<65536x768xf32, #tpu.memory_space<hbm>>) target(%arg6 : memref<64x768xf32, #tpu.memory_space<vmem>>) offsets(%dma_start3A_67 : memref<64xi32, #tpu.memory_space<vmem>>) semaphore(%arg8 : memref<!tpu.dma_semaphore, #tpu.memory_space<semaphore_mem>>)
    %dma_wait3A_71 = arith.constant 320 : i32
    %dma_wait3A_72 = tpu.memref_slice %arg5[%dma_wait3A_71] : memref<512xi32, #tpu.memory_space<vmem>> -> memref<64xi32, #tpu.memory_space<vmem>>
    %dma_wait3A_73 = arith.constant 0 : i32
    %dma_wait3A_74 = arith.constant 0 : i32
    %dma_wait3A_75 = tpu.memref_slice %arg2[%dma_wait3A_73, %dma_wait3A_74] : memref<65536x768xf32, #tpu.memory_space<hbm>> -> memref<65536x768xf32, #tpu.memory_space<hbm>>
    tpu.wait_indirect_dma semaphore(%arg9 : memref<!tpu.dma_semaphore, #tpu.memory_space<semaphore_mem>>) src(%dma_wait3A_75 : memref<65536x768xf32, #tpu.memory_space<hbm>>) dst(%arg7 : memref<64x768xf32, #tpu.memory_space<vmem>>)
    %add3A_76 = arith.constant 320 : i32
    %add3A_77 = arith.addi %mul3A_2, %add3A_76 : i32
    "tpu.region"() ({
      %run_scoped3A = tpu.sem_alloc : memref<!tpu.dma_semaphore, #tpu.memory_space<semaphore_mem>>
      %dma_start3A_97 = arith.constant 0 : i32
      %dma_start3A_98 = tpu.memref_slice %arg4[%add3A_77, %dma_start3A_97] : memref<16384x768xf32, #tpu.memory_space<hbm>> -> memref<64x768xf32, #tpu.memory_space<hbm>>
      %dma_start3A_99 = arith.constant 0 : i32
      %dma_start3A_100 = tpu.memref_slice %arg4[%add3A_77, %dma_start3A_99] : memref<16384x768xf32, #tpu.memory_space<hbm>> -> memref<64x768xf32, #tpu.memory_space<hbm>>
      tpu.enqueue_dma source(%arg7 : memref<64x768xf32, #tpu.memory_space<vmem>>) target(%dma_start3A_100 : memref<64x768xf32, #tpu.memory_space<hbm>>) target_semaphore(%run_scoped3A : memref<!tpu.dma_semaphore, #tpu.memory_space<semaphore_mem>>)
      %dma_wait3A_101 = arith.constant 0 : i32
      %dma_wait3A_102 = tpu.memref_slice %arg4[%add3A_77, %dma_wait3A_101] : memref<16384x768xf32, #tpu.memory_space<hbm>> -> memref<64x768xf32, #tpu.memory_space<hbm>>
      %dma_wait3A_103 = arith.constant 0 : i32
      %dma_wait3A_104 = tpu.memref_slice %arg4[%add3A_77, %dma_wait3A_103] : memref<16384x768xf32, #tpu.memory_space<hbm>> -> memref<64x768xf32, #tpu.memory_space<hbm>>
      tpu.wait_dma2 semaphore(%run_scoped3A : memref<!tpu.dma_semaphore, #tpu.memory_space<semaphore_mem>>) src(%arg7 : memref<64x768xf32, #tpu.memory_space<vmem>>) dst(%dma_wait3A_104 : memref<64x768xf32, #tpu.memory_space<hbm>>)
      tpu.yield
    }) : () -> ()
    %dma_start3A_78 = arith.constant 448 : i32
    %dma_start3A_79 = tpu.memref_slice %arg5[%dma_start3A_78] : memref<512xi32, #tpu.memory_space<vmem>> -> memref<64xi32, #tpu.memory_space<vmem>>
    %dma_start3A_80 = arith.constant 0 : i32
    %dma_start3A_81 = arith.constant 0 : i32
    %dma_start3A_82 = tpu.memref_slice %arg2[%dma_start3A_80, %dma_start3A_81] : memref<65536x768xf32, #tpu.memory_space<hbm>> -> memref<65536x768xf32, #tpu.memory_space<hbm>>
    tpu.enqueue_indirect_dma source(%dma_start3A_82 : memref<65536x768xf32, #tpu.memory_space<hbm>>) target(%arg7 : memref<64x768xf32, #tpu.memory_space<vmem>>) offsets(%dma_start3A_79 : memref<64xi32, #tpu.memory_space<vmem>>) semaphore(%arg9 : memref<!tpu.dma_semaphore, #tpu.memory_space<semaphore_mem>>)
    %dma_wait3A_83 = arith.constant 384 : i32
    %dma_wait3A_84 = tpu.memref_slice %arg5[%dma_wait3A_83] : memref<512xi32, #tpu.memory_space<vmem>> -> memref<64xi32, #tpu.memory_space<vmem>>
    %dma_wait3A_85 = arith.constant 0 : i32
    %dma_wait3A_86 = arith.constant 0 : i32
    %dma_wait3A_87 = tpu.memref_slice %arg2[%dma_wait3A_85, %dma_wait3A_86] : memref<65536x768xf32, #tpu.memory_space<hbm>> -> memref<65536x768xf32, #tpu.memory_space<hbm>>
    tpu.wait_indirect_dma semaphore(%arg8 : memref<!tpu.dma_semaphore, #tpu.memory_space<semaphore_mem>>) src(%dma_wait3A_87 : memref<65536x768xf32, #tpu.memory_space<hbm>>) dst(%arg6 : memref<64x768xf32, #tpu.memory_space<vmem>>)
    %add3A_88 = arith.constant 384 : i32
    %add3A_89 = arith.addi %mul3A_2, %add3A_88 : i32
    "tpu.region"() ({
      %run_scoped3A = tpu.sem_alloc : memref<!tpu.dma_semaphore, #tpu.memory_space<semaphore_mem>>
      %dma_start3A_97 = arith.constant 0 : i32
      %dma_start3A_98 = tpu.memref_slice %arg4[%add3A_89, %dma_start3A_97] : memref<16384x768xf32, #tpu.memory_space<hbm>> -> memref<64x768xf32, #tpu.memory_space<hbm>>
      %dma_start3A_99 = arith.constant 0 : i32
      %dma_start3A_100 = tpu.memref_slice %arg4[%add3A_89, %dma_start3A_99] : memref<16384x768xf32, #tpu.memory_space<hbm>> -> memref<64x768xf32, #tpu.memory_space<hbm>>
      tpu.enqueue_dma source(%arg6 : memref<64x768xf32, #tpu.memory_space<vmem>>) target(%dma_start3A_100 : memref<64x768xf32, #tpu.memory_space<hbm>>) target_semaphore(%run_scoped3A : memref<!tpu.dma_semaphore, #tpu.memory_space<semaphore_mem>>)
      %dma_wait3A_101 = arith.constant 0 : i32
      %dma_wait3A_102 = tpu.memref_slice %arg4[%add3A_89, %dma_wait3A_101] : memref<16384x768xf32, #tpu.memory_space<hbm>> -> memref<64x768xf32, #tpu.memory_space<hbm>>
      %dma_wait3A_103 = arith.constant 0 : i32
      %dma_wait3A_104 = tpu.memref_slice %arg4[%add3A_89, %dma_wait3A_103] : memref<16384x768xf32, #tpu.memory_space<hbm>> -> memref<64x768xf32, #tpu.memory_space<hbm>>
      tpu.wait_dma2 semaphore(%run_scoped3A : memref<!tpu.dma_semaphore, #tpu.memory_space<semaphore_mem>>) src(%arg6 : memref<64x768xf32, #tpu.memory_space<vmem>>) dst(%dma_wait3A_104 : memref<64x768xf32, #tpu.memory_space<hbm>>)
      tpu.yield
    }) : () -> ()
    %dma_wait3A_90 = arith.constant 448 : i32
    %dma_wait3A_91 = tpu.memref_slice %arg5[%dma_wait3A_90] : memref<512xi32, #tpu.memory_space<vmem>> -> memref<64xi32, #tpu.memory_space<vmem>>
    %dma_wait3A_92 = arith.constant 0 : i32
    %dma_wait3A_93 = arith.constant 0 : i32
    %dma_wait3A_94 = tpu.memref_slice %arg2[%dma_wait3A_92, %dma_wait3A_93] : memref<65536x768xf32, #tpu.memory_space<hbm>> -> memref<65536x768xf32, #tpu.memory_space<hbm>>
    tpu.wait_indirect_dma semaphore(%arg9 : memref<!tpu.dma_semaphore, #tpu.memory_space<semaphore_mem>>) src(%dma_wait3A_94 : memref<65536x768xf32, #tpu.memory_space<hbm>>) dst(%arg7 : memref<64x768xf32, #tpu.memory_space<vmem>>)
    %add3A_95 = arith.constant 448 : i32
    %add3A_96 = arith.addi %mul3A_2, %add3A_95 : i32
    "tpu.region"() ({
      %run_scoped3A = tpu.sem_alloc : memref<!tpu.dma_semaphore, #tpu.memory_space<semaphore_mem>>
      %dma_start3A_97 = arith.constant 0 : i32
      %dma_start3A_98 = tpu.memref_slice %arg4[%add3A_96, %dma_start3A_97] : memref<16384x768xf32, #tpu.memory_space<hbm>> -> memref<64x768xf32, #tpu.memory_space<hbm>>
      %dma_start3A_99 = arith.constant 0 : i32
      %dma_start3A_100 = tpu.memref_slice %arg4[%add3A_96, %dma_start3A_99] : memref<16384x768xf32, #tpu.memory_space<hbm>> -> memref<64x768xf32, #tpu.memory_space<hbm>>
      tpu.enqueue_dma source(%arg7 : memref<64x768xf32, #tpu.memory_space<vmem>>) target(%dma_start3A_100 : memref<64x768xf32, #tpu.memory_space<hbm>>) target_semaphore(%run_scoped3A : memref<!tpu.dma_semaphore, #tpu.memory_space<semaphore_mem>>)
      %dma_wait3A_101 = arith.constant 0 : i32
      %dma_wait3A_102 = tpu.memref_slice %arg4[%add3A_96, %dma_wait3A_101] : memref<16384x768xf32, #tpu.memory_space<hbm>> -> memref<64x768xf32, #tpu.memory_space<hbm>>
      %dma_wait3A_103 = arith.constant 0 : i32
      %dma_wait3A_104 = tpu.memref_slice %arg4[%add3A_96, %dma_wait3A_103] : memref<16384x768xf32, #tpu.memory_space<hbm>> -> memref<64x768xf32, #tpu.memory_space<hbm>>
      tpu.wait_dma2 semaphore(%run_scoped3A : memref<!tpu.dma_semaphore, #tpu.memory_space<semaphore_mem>>) src(%arg7 : memref<64x768xf32, #tpu.memory_space<vmem>>) dst(%dma_wait3A_104 : memref<64x768xf32, #tpu.memory_space<hbm>>)
      tpu.yield
    }) : () -> ()
    return
  }
}

module attributes {stable_mosaic.version = 14 : i64} {
  func.func @_merge_body(%arg0: i32, %arg1: memref<512x128xf32, #tpu.memory_space<vmem>>, %arg2: memref<512x128xf32, #tpu.memory_space<vmem>>, %arg3: memref<512x4xi32, #tpu.memory_space<vmem>>) attributes {dimension_semantics = [#tpu.dimension_semantics<arbitrary>], iteration_bounds = array<i64: 8>, scalar_prefetch = 0 : i64, scratch_operands = 0 : i64, tpu.core_type = #tpu.core_type<tc>, window_params = [{transform_indices = @transform_0, window_bounds = array<i64: 512, 128>}, {transform_indices = @transform_1, window_bounds = array<i64: 512, 128>}, {transform_indices = @transform_2, window_bounds = array<i64: 512, 4>}]} {
    %get3A = arith.constant 0 : index
    %get3A_0 = arith.constant 0 : index
    %get3A_1 = vector.load %arg1[%get3A, %get3A_0] : memref<512x128xf32, #tpu.memory_space<vmem>>, vector<512x128xf32>
    %get3A_2 = arith.constant 0 : index
    %get3A_3 = arith.constant 0 : index
    %get3A_4 = vector.load %arg2[%get3A_2, %get3A_3] : memref<512x128xf32, #tpu.memory_space<vmem>>, vector<512x128xf32>
    %reduce_max3A = arith.constant dense<0xFF800000> : vector<512xf32>
    %reduce_max3A_5 = vector.multi_reduction <maximumf>, %get3A_1, %reduce_max3A [1] : vector<512x128xf32> to vector<512xf32>
    %broadcast_in_dim3A = vector.shape_cast %reduce_max3A_5 : vector<512xf32> to vector<512x1xf32>
    %eq3A = vector.broadcast %broadcast_in_dim3A : vector<512x1xf32> to vector<512x128xf32>
    %eq3A_6 = arith.cmpf oeq, %get3A_1, %eq3A : vector<512x128xf32>
    %jit3A = arith.constant 1.310720e+05 : f32
    %broadcast_in_dim3A_7 = vector.broadcast %jit3A : f32 to vector<512x128xf32>
    %select_n3A = arith.select %eq3A_6, %get3A_4, %broadcast_in_dim3A_7 : vector<512x128xi1>, vector<512x128xf32>
    %reduce_min3A = arith.constant dense<0x7F800000> : vector<512xf32>
    %reduce_min3A_8 = vector.multi_reduction <minimumf>, %select_n3A, %reduce_min3A [1] : vector<512x128xf32> to vector<512xf32>
    %broadcast_in_dim3A_9 = vector.shape_cast %reduce_min3A_8 : vector<512xf32> to vector<512x1xf32>
    %eq3A_10 = vector.broadcast %broadcast_in_dim3A_9 : vector<512x1xf32> to vector<512x128xf32>
    %eq3A_11 = arith.cmpf oeq, %get3A_4, %eq3A_10 : vector<512x128xf32>
    %jit3A_12 = arith.constant 0xFF800000 : f32
    %broadcast_in_dim3A_13 = vector.broadcast %jit3A_12 : f32 to vector<512x128xf32>
    %select_n3A_14 = arith.select %eq3A_11, %broadcast_in_dim3A_13, %get3A_1 : vector<512x128xi1>, vector<512x128xf32>
    %reduce_max3A_15 = arith.constant dense<0xFF800000> : vector<512xf32>
    %reduce_max3A_16 = vector.multi_reduction <maximumf>, %select_n3A_14, %reduce_max3A_15 [1] : vector<512x128xf32> to vector<512xf32>
    %broadcast_in_dim3A_17 = vector.shape_cast %reduce_max3A_16 : vector<512xf32> to vector<512x1xf32>
    %eq3A_18 = vector.broadcast %broadcast_in_dim3A_17 : vector<512x1xf32> to vector<512x128xf32>
    %eq3A_19 = arith.cmpf oeq, %select_n3A_14, %eq3A_18 : vector<512x128xf32>
    %jit3A_20 = arith.constant 1.310720e+05 : f32
    %broadcast_in_dim3A_21 = vector.broadcast %jit3A_20 : f32 to vector<512x128xf32>
    %select_n3A_22 = arith.select %eq3A_19, %get3A_4, %broadcast_in_dim3A_21 : vector<512x128xi1>, vector<512x128xf32>
    %reduce_min3A_23 = arith.constant dense<0x7F800000> : vector<512xf32>
    %reduce_min3A_24 = vector.multi_reduction <minimumf>, %select_n3A_22, %reduce_min3A_23 [1] : vector<512x128xf32> to vector<512xf32>
    %broadcast_in_dim3A_25 = vector.shape_cast %reduce_min3A_24 : vector<512xf32> to vector<512x1xf32>
    %eq3A_26 = vector.broadcast %broadcast_in_dim3A_25 : vector<512x1xf32> to vector<512x128xf32>
    %eq3A_27 = arith.cmpf oeq, %get3A_4, %eq3A_26 : vector<512x128xf32>
    %jit3A_28 = arith.constant 0xFF800000 : f32
    %broadcast_in_dim3A_29 = vector.broadcast %jit3A_28 : f32 to vector<512x128xf32>
    %select_n3A_30 = arith.select %eq3A_27, %broadcast_in_dim3A_29, %select_n3A_14 : vector<512x128xi1>, vector<512x128xf32>
    %reduce_max3A_31 = arith.constant dense<0xFF800000> : vector<512xf32>
    %reduce_max3A_32 = vector.multi_reduction <maximumf>, %select_n3A_30, %reduce_max3A_31 [1] : vector<512x128xf32> to vector<512xf32>
    %broadcast_in_dim3A_33 = vector.shape_cast %reduce_max3A_32 : vector<512xf32> to vector<512x1xf32>
    %eq3A_34 = vector.broadcast %broadcast_in_dim3A_33 : vector<512x1xf32> to vector<512x128xf32>
    %eq3A_35 = arith.cmpf oeq, %select_n3A_30, %eq3A_34 : vector<512x128xf32>
    %jit3A_36 = arith.constant 1.310720e+05 : f32
    %broadcast_in_dim3A_37 = vector.broadcast %jit3A_36 : f32 to vector<512x128xf32>
    %select_n3A_38 = arith.select %eq3A_35, %get3A_4, %broadcast_in_dim3A_37 : vector<512x128xi1>, vector<512x128xf32>
    %reduce_min3A_39 = arith.constant dense<0x7F800000> : vector<512xf32>
    %reduce_min3A_40 = vector.multi_reduction <minimumf>, %select_n3A_38, %reduce_min3A_39 [1] : vector<512x128xf32> to vector<512xf32>
    %broadcast_in_dim3A_41 = vector.shape_cast %reduce_min3A_40 : vector<512xf32> to vector<512x1xf32>
    %eq3A_42 = vector.broadcast %broadcast_in_dim3A_41 : vector<512x1xf32> to vector<512x128xf32>
    %eq3A_43 = arith.cmpf oeq, %get3A_4, %eq3A_42 : vector<512x128xf32>
    %jit3A_44 = arith.constant 0xFF800000 : f32
    %broadcast_in_dim3A_45 = vector.broadcast %jit3A_44 : f32 to vector<512x128xf32>
    %select_n3A_46 = arith.select %eq3A_43, %broadcast_in_dim3A_45, %select_n3A_30 : vector<512x128xi1>, vector<512x128xf32>
    %reduce_max3A_47 = arith.constant dense<0xFF800000> : vector<512xf32>
    %reduce_max3A_48 = vector.multi_reduction <maximumf>, %select_n3A_46, %reduce_max3A_47 [1] : vector<512x128xf32> to vector<512xf32>
    %broadcast_in_dim3A_49 = vector.shape_cast %reduce_max3A_48 : vector<512xf32> to vector<512x1xf32>
    %eq3A_50 = vector.broadcast %broadcast_in_dim3A_49 : vector<512x1xf32> to vector<512x128xf32>
    %eq3A_51 = arith.cmpf oeq, %select_n3A_46, %eq3A_50 : vector<512x128xf32>
    %jit3A_52 = arith.constant 1.310720e+05 : f32
    %broadcast_in_dim3A_53 = vector.broadcast %jit3A_52 : f32 to vector<512x128xf32>
    %select_n3A_54 = arith.select %eq3A_51, %get3A_4, %broadcast_in_dim3A_53 : vector<512x128xi1>, vector<512x128xf32>
    %reduce_min3A_55 = arith.constant dense<0x7F800000> : vector<512xf32>
    %reduce_min3A_56 = vector.multi_reduction <minimumf>, %select_n3A_54, %reduce_min3A_55 [1] : vector<512x128xf32> to vector<512xf32>
    %broadcast_in_dim3A_57 = vector.shape_cast %reduce_min3A_56 : vector<512xf32> to vector<512x1xf32>
    %concatenate3A = tpu.concatenate %broadcast_in_dim3A_9, %broadcast_in_dim3A_25, %broadcast_in_dim3A_41, %broadcast_in_dim3A_57 in 1 : vector<512x1xf32>, vector<512x1xf32>, vector<512x1xf32>, vector<512x1xf32> -> vector<512x4xf32>
    %convert_element_type3A = arith.fptosi %concatenate3A : vector<512x4xf32> to vector<512x4xi32>
    %swap3A = arith.constant 0 : index
    %swap3A_58 = arith.constant 0 : index
    %swap3A_59 = vector.load %arg3[%swap3A, %swap3A_58] : memref<512x4xi32, #tpu.memory_space<vmem>>, vector<512x4xi32>
    tpu.vector_store %arg3[%swap3A, %swap3A_58], %convert_element_type3A {strides = array<i32>} : memref<512x4xi32, #tpu.memory_space<vmem>>, vector<512x4xi32>,
    return
  }
  func.func @transform_0(%arg0: i32) -> (i32, i32) {
    %c0_i32 = arith.constant 0 : i32
    %c0_i32_0 = arith.constant 0 : i32
    return %arg0, %c0_i32 : i32, i32
  }
  func.func @transform_1(%arg0: i32) -> (i32, i32) {
    %c0_i32 = arith.constant 0 : i32
    %c0_i32_0 = arith.constant 0 : i32
    return %arg0, %c0_i32 : i32, i32
  }
  func.func @transform_2(%arg0: i32) -> (i32, i32) {
    %c0_i32 = arith.constant 0 : i32
    %c0_i32_0 = arith.constant 0 : i32
    return %arg0, %c0_i32 : i32, i32
  }
}

module attributes {stable_mosaic.version = 14 : i64} {
  func.func @_topk_body(%arg0: i32, %arg1: i32, %arg2: memref<512x768xf32, #tpu.memory_space<vmem>>, %arg3: memref<2048x768xf32, #tpu.memory_space<vmem>>, %arg4: memref<512x128xf32, #tpu.memory_space<vmem>>, %arg5: memref<512x128xf32, #tpu.memory_space<vmem>>, %arg6: memref<2048x768xf32, #tpu.memory_space<vmem>>, %arg7: memref<4096x128xf32, #tpu.memory_space<vmem>>, %arg8: memref<4096x128xf32, #tpu.memory_space<vmem>>) attributes {dimension_semantics = [#tpu.dimension_semantics<arbitrary>, #tpu.dimension_semantics<arbitrary>], iteration_bounds = array<i64: 32, 8>, scalar_prefetch = 0 : i64, scratch_operands = 3 : i64, tpu.core_type = #tpu.core_type<tc>, window_params = [{transform_indices = @transform_0, window_bounds = array<i64: 512, 768>}, {transform_indices = @transform_1, window_bounds = array<i64: 2048, 768>}, {transform_indices = @transform_2, window_bounds = array<i64: 512, 128>}, {transform_indices = @transform_3, window_bounds = array<i64: 512, 128>}]} {
    %eq3A = arith.constant 0 : i32
    %eq3A_0 = arith.cmpi eq, %arg1, %eq3A : i32
    %convert_element_type3A = arith.extui %eq3A_0 : i1 to i32
    %cond3A = arith.constant 0 : i32
    %cond3A_1 = arith.cmpi ne, %convert_element_type3A, %cond3A : i32
    scf.if %cond3A_1 {
      %get3A_177 = arith.constant 0 : index
      %get3A_178 = arith.constant 0 : index
      %get3A_179 = vector.load %arg3[%get3A_177, %get3A_178] : memref<2048x768xf32, #tpu.memory_space<vmem>>, vector<2048x768xf32>
      %mul3A_180 = arith.mulf %get3A_179, %get3A_179 : vector<2048x768xf32>
      %reduce_sum3A_181 = arith.constant dense<0.000000e+00> : vector<2048xf32>
      %reduce_sum3A_182 = vector.multi_reduction <add>, %mul3A_180, %reduce_sum3A_181 [1] : vector<2048x768xf32> to vector<2048xf32>
      %broadcast_in_dim3A_183 = vector.shape_cast %reduce_sum3A_182 : vector<2048xf32> to vector<2048x1xf32>
      %add3A_184 = arith.constant 9.99999993E-9 : f32
      %add3A_185 = vector.broadcast %add3A_184 : f32 to vector<2048x1xf32>
      %add3A_186 = arith.addf %broadcast_in_dim3A_183, %add3A_185 : vector<2048x1xf32>
      %rsqrt3A_187 = math.rsqrt %add3A_186 : vector<2048x1xf32>
      %mul3A_188 = vector.broadcast %rsqrt3A_187 : vector<2048x1xf32> to vector<2048x768xf32>
      %mul3A_189 = arith.mulf %get3A_179, %mul3A_188 : vector<2048x768xf32>
      %swap3A_190 = arith.constant 0 : index
      %swap3A_191 = arith.constant 0 : index
      %swap3A_192 = vector.load %arg6[%swap3A_190, %swap3A_191] : memref<2048x768xf32, #tpu.memory_space<vmem>>, vector<2048x768xf32>
      tpu.vector_store %arg6[%swap3A_190, %swap3A_191], %mul3A_189 {strides = array<i32>} : memref<2048x768xf32, #tpu.memory_space<vmem>>, vector<2048x768xf32>,
    } else {
    }
    %get3A = arith.constant 0 : index
    %get3A_2 = arith.constant 0 : index
    %get3A_3 = vector.load %arg2[%get3A, %get3A_2] : memref<512x768xf32, #tpu.memory_space<vmem>>, vector<512x768xf32>
    %mul3A = arith.mulf %get3A_3, %get3A_3 : vector<512x768xf32>
    %reduce_sum3A = arith.constant dense<0.000000e+00> : vector<512xf32>
    %reduce_sum3A_4 = vector.multi_reduction <add>, %mul3A, %reduce_sum3A [1] : vector<512x768xf32> to vector<512xf32>
    %broadcast_in_dim3A = vector.shape_cast %reduce_sum3A_4 : vector<512xf32> to vector<512x1xf32>
    %add3A = arith.constant 9.99999993E-9 : f32
    %add3A_5 = vector.broadcast %add3A : f32 to vector<512x1xf32>
    %add3A_6 = arith.addf %broadcast_in_dim3A, %add3A_5 : vector<512x1xf32>
    %rsqrt3A = math.rsqrt %add3A_6 : vector<512x1xf32>
    %mul3A_7 = vector.broadcast %rsqrt3A : vector<512x1xf32> to vector<512x768xf32>
    %mul3A_8 = arith.mulf %get3A_3, %mul3A_7 : vector<512x768xf32>
    %get3A_9 = arith.constant 0 : index
    %get3A_10 = arith.constant 0 : index
    %get3A_11 = vector.load %arg6[%get3A_9, %get3A_10] : memref<2048x768xf32, #tpu.memory_space<vmem>>, vector<2048x768xf32>
    %dot_general3A = arith.constant dense<0.000000e+00> : vector<512x2048xf32>
    %dot_general3A_12 = tpu.matmul %mul3A_8, %get3A_11, %dot_general3A {dimension_numbers = #tpu.dot_dimension_numbers<[1], [1], [0], [0], [0, 0, 1, 0], [], []>, transpose_lhs_hint = false} : vector<512x768xf32>, vector<2048x768xf32>, vector<512x2048xf32> -> vector<512x2048xf32>
    %iota3A = tpu.iota {dimensions = array<i32: 1>} : vector<512x2048xi32>
    %convert_element_type3A_13 = arith.sitofp %iota3A : vector<512x2048xi32> to vector<512x2048xf32>
    %mul3A_14 = arith.constant 2048 : i32
    %mul3A_15 = arith.muli %arg0, %mul3A_14 : i32
    %convert_element_type3A_16 = arith.sitofp %mul3A_15 : i32 to f32
    %reduce_max3A = arith.constant dense<0xFF800000> : vector<512xf32>
    %reduce_max3A_17 = vector.multi_reduction <maximumf>, %dot_general3A_12, %reduce_max3A [1] : vector<512x2048xf32> to vector<512xf32>
    %broadcast_in_dim3A_18 = vector.shape_cast %reduce_max3A_17 : vector<512xf32> to vector<512x1xf32>
    %eq3A_19 = vector.broadcast %broadcast_in_dim3A_18 : vector<512x1xf32> to vector<512x2048xf32>
    %eq3A_20 = arith.cmpf oeq, %dot_general3A_12, %eq3A_19 : vector<512x2048xf32>
    %jit3A = arith.constant 6.553600e+04 : f32
    %broadcast_in_dim3A_21 = vector.broadcast %jit3A : f32 to vector<512x2048xf32>
    %select_n3A = arith.select %eq3A_20, %convert_element_type3A_13, %broadcast_in_dim3A_21 : vector<512x2048xi1>, vector<512x2048xf32>
    %reduce_min3A = arith.constant dense<0x7F800000> : vector<512xf32>
    %reduce_min3A_22 = vector.multi_reduction <minimumf>, %select_n3A, %reduce_min3A [1] : vector<512x2048xf32> to vector<512xf32>
    %broadcast_in_dim3A_23 = vector.shape_cast %reduce_min3A_22 : vector<512xf32> to vector<512x1xf32>
    %add3A_24 = vector.broadcast %convert_element_type3A_16 : f32 to vector<512x1xf32>
    %add3A_25 = arith.addf %broadcast_in_dim3A_23, %add3A_24 : vector<512x1xf32>
    %eq3A_26 = vector.broadcast %broadcast_in_dim3A_23 : vector<512x1xf32> to vector<512x2048xf32>
    %eq3A_27 = arith.cmpf oeq, %convert_element_type3A_13, %eq3A_26 : vector<512x2048xf32>
    %jit3A_28 = arith.constant 0xFF800000 : f32
    %broadcast_in_dim3A_29 = vector.broadcast %jit3A_28 : f32 to vector<512x2048xf32>
    %select_n3A_30 = arith.select %eq3A_27, %broadcast_in_dim3A_29, %dot_general3A_12 : vector<512x2048xi1>, vector<512x2048xf32>
    %reduce_max3A_31 = arith.constant dense<0xFF800000> : vector<512xf32>
    %reduce_max3A_32 = vector.multi_reduction <maximumf>, %select_n3A_30, %reduce_max3A_31 [1] : vector<512x2048xf32> to vector<512xf32>
    %broadcast_in_dim3A_33 = vector.shape_cast %reduce_max3A_32 : vector<512xf32> to vector<512x1xf32>
    %eq3A_34 = vector.broadcast %broadcast_in_dim3A_33 : vector<512x1xf32> to vector<512x2048xf32>
    %eq3A_35 = arith.cmpf oeq, %select_n3A_30, %eq3A_34 : vector<512x2048xf32>
    %jit3A_36 = arith.constant 6.553600e+04 : f32
    %broadcast_in_dim3A_37 = vector.broadcast %jit3A_36 : f32 to vector<512x2048xf32>
    %select_n3A_38 = arith.select %eq3A_35, %convert_element_type3A_13, %broadcast_in_dim3A_37 : vector<512x2048xi1>, vector<512x2048xf32>
    %reduce_min3A_39 = arith.constant dense<0x7F800000> : vector<512xf32>
    %reduce_min3A_40 = vector.multi_reduction <minimumf>, %select_n3A_38, %reduce_min3A_39 [1] : vector<512x2048xf32> to vector<512xf32>
    %broadcast_in_dim3A_41 = vector.shape_cast %reduce_min3A_40 : vector<512xf32> to vector<512x1xf32>
    %add3A_42 = vector.broadcast %convert_element_type3A_16 : f32 to vector<512x1xf32>
    %add3A_43 = arith.addf %broadcast_in_dim3A_41, %add3A_42 : vector<512x1xf32>
    %eq3A_44 = vector.broadcast %broadcast_in_dim3A_41 : vector<512x1xf32> to vector<512x2048xf32>
    %eq3A_45 = arith.cmpf oeq, %convert_element_type3A_13, %eq3A_44 : vector<512x2048xf32>
    %jit3A_46 = arith.constant 0xFF800000 : f32
    %broadcast_in_dim3A_47 = vector.broadcast %jit3A_46 : f32 to vector<512x2048xf32>
    %select_n3A_48 = arith.select %eq3A_45, %broadcast_in_dim3A_47, %select_n3A_30 : vector<512x2048xi1>, vector<512x2048xf32>
    %reduce_max3A_49 = arith.constant dense<0xFF800000> : vector<512xf32>
    %reduce_max3A_50 = vector.multi_reduction <maximumf>, %select_n3A_48, %reduce_max3A_49 [1] : vector<512x2048xf32> to vector<512xf32>
    %broadcast_in_dim3A_51 = vector.shape_cast %reduce_max3A_50 : vector<512xf32> to vector<512x1xf32>
    %eq3A_52 = vector.broadcast %broadcast_in_dim3A_51 : vector<512x1xf32> to vector<512x2048xf32>
    %eq3A_53 = arith.cmpf oeq, %select_n3A_48, %eq3A_52 : vector<512x2048xf32>
    %jit3A_54 = arith.constant 6.553600e+04 : f32
    %broadcast_in_dim3A_55 = vector.broadcast %jit3A_54 : f32 to vector<512x2048xf32>
    %select_n3A_56 = arith.select %eq3A_53, %convert_element_type3A_13, %broadcast_in_dim3A_55 : vector<512x2048xi1>, vector<512x2048xf32>
    %reduce_min3A_57 = arith.constant dense<0x7F800000> : vector<512xf32>
    %reduce_min3A_58 = vector.multi_reduction <minimumf>, %select_n3A_56, %reduce_min3A_57 [1] : vector<512x2048xf32> to vector<512xf32>
    %broadcast_in_dim3A_59 = vector.shape_cast %reduce_min3A_58 : vector<512xf32> to vector<512x1xf32>
    %add3A_60 = vector.broadcast %convert_element_type3A_16 : f32 to vector<512x1xf32>
    %add3A_61 = arith.addf %broadcast_in_dim3A_59, %add3A_60 : vector<512x1xf32>
    %eq3A_62 = vector.broadcast %broadcast_in_dim3A_59 : vector<512x1xf32> to vector<512x2048xf32>
    %eq3A_63 = arith.cmpf oeq, %convert_element_type3A_13, %eq3A_62 : vector<512x2048xf32>
    %jit3A_64 = arith.constant 0xFF800000 : f32
    %broadcast_in_dim3A_65 = vector.broadcast %jit3A_64 : f32 to vector<512x2048xf32>
    %select_n3A_66 = arith.select %eq3A_63, %broadcast_in_dim3A_65, %select_n3A_48 : vector<512x2048xi1>, vector<512x2048xf32>
    %reduce_max3A_67 = arith.constant dense<0xFF800000> : vector<512xf32>
    %reduce_max3A_68 = vector.multi_reduction <maximumf>, %select_n3A_66, %reduce_max3A_67 [1] : vector<512x2048xf32> to vector<512xf32>
    %broadcast_in_dim3A_69 = vector.shape_cast %reduce_max3A_68 : vector<512xf32> to vector<512x1xf32>
    %eq3A_70 = vector.broadcast %broadcast_in_dim3A_69 : vector<512x1xf32> to vector<512x2048xf32>
    %eq3A_71 = arith.cmpf oeq, %select_n3A_66, %eq3A_70 : vector<512x2048xf32>
    %jit3A_72 = arith.constant 6.553600e+04 : f32
    %broadcast_in_dim3A_73 = vector.broadcast %jit3A_72 : f32 to vector<512x2048xf32>
    %select_n3A_74 = arith.select %eq3A_71, %convert_element_type3A_13, %broadcast_in_dim3A_73 : vector<512x2048xi1>, vector<512x2048xf32>
    %reduce_min3A_75 = arith.constant dense<0x7F800000> : vector<512xf32>
    %reduce_min3A_76 = vector.multi_reduction <minimumf>, %select_n3A_74, %reduce_min3A_75 [1] : vector<512x2048xf32> to vector<512xf32>
    %broadcast_in_dim3A_77 = vector.shape_cast %reduce_min3A_76 : vector<512xf32> to vector<512x1xf32>
    %add3A_78 = vector.broadcast %convert_element_type3A_16 : f32 to vector<512x1xf32>
    %add3A_79 = arith.addf %broadcast_in_dim3A_77, %add3A_78 : vector<512x1xf32>
    %iota3A_80 = tpu.iota {dimensions = array<i32: 1>} : vector<512x128xi32>
    %mul3A_81 = arith.constant 512 : i32
    %mul3A_82 = arith.muli %arg1, %mul3A_81 : i32
    %get3A_83 = arith.index_cast %mul3A_82 : i32 to index
    %get3A_84 = arith.constant 0 : index
    %get3A_85 = vector.load %arg7[%get3A_83, %get3A_84] : memref<4096x128xf32, #tpu.memory_space<vmem>>, vector<512x128xf32>
    %mul3A_86 = arith.constant 512 : i32
    %mul3A_87 = arith.muli %arg1, %mul3A_86 : i32
    %get3A_88 = arith.index_cast %mul3A_87 : i32 to index
    %get3A_89 = arith.constant 0 : index
    %get3A_90 = vector.load %arg8[%get3A_88, %get3A_89] : memref<4096x128xf32, #tpu.memory_space<vmem>>, vector<512x128xf32>
    %mul3A_91 = arith.constant 4 : i32
    %mul3A_92 = arith.muli %arg0, %mul3A_91 : i32
    %add3A_93 = arith.constant 0 : i32
    %add3A_94 = arith.addi %mul3A_92, %add3A_93 : i32
    %eq3A_95 = vector.broadcast %add3A_94 : i32 to vector<512x128xi32>
    %eq3A_96 = arith.cmpi eq, %iota3A_80, %eq3A_95 : vector<512x128xi32>
    %broadcast_in_dim3A_97 = vector.shape_cast %broadcast_in_dim3A_18 : vector<512x1xf32> to vector<512x1xf32>
    %broadcast_in_dim3A_98 = vector.broadcast %broadcast_in_dim3A_97 : vector<512x1xf32> to vector<512x128xf32>
    %select_n3A_99 = arith.select %eq3A_96, %broadcast_in_dim3A_98, %get3A_85 : vector<512x128xi1>, vector<512x128xf32>
    %mul3A_100 = arith.constant 4 : i32
    %mul3A_101 = arith.muli %arg0, %mul3A_100 : i32
    %add3A_102 = arith.constant 0 : i32
    %add3A_103 = arith.addi %mul3A_101, %add3A_102 : i32
    %eq3A_104 = vector.broadcast %add3A_103 : i32 to vector<512x128xi32>
    %eq3A_105 = arith.cmpi eq, %iota3A_80, %eq3A_104 : vector<512x128xi32>
    %broadcast_in_dim3A_106 = vector.shape_cast %add3A_25 : vector<512x1xf32> to vector<512x1xf32>
    %broadcast_in_dim3A_107 = vector.broadcast %broadcast_in_dim3A_106 : vector<512x1xf32> to vector<512x128xf32>
    %select_n3A_108 = arith.select %eq3A_105, %broadcast_in_dim3A_107, %get3A_90 : vector<512x128xi1>, vector<512x128xf32>
    %mul3A_109 = arith.constant 4 : i32
    %mul3A_110 = arith.muli %arg0, %mul3A_109 : i32
    %add3A_111 = arith.constant 1 : i32
    %add3A_112 = arith.addi %mul3A_110, %add3A_111 : i32
    %eq3A_113 = vector.broadcast %add3A_112 : i32 to vector<512x128xi32>
    %eq3A_114 = arith.cmpi eq, %iota3A_80, %eq3A_113 : vector<512x128xi32>
    %broadcast_in_dim3A_115 = vector.shape_cast %broadcast_in_dim3A_33 : vector<512x1xf32> to vector<512x1xf32>
    %broadcast_in_dim3A_116 = vector.broadcast %broadcast_in_dim3A_115 : vector<512x1xf32> to vector<512x128xf32>
    %select_n3A_117 = arith.select %eq3A_114, %broadcast_in_dim3A_116, %select_n3A_99 : vector<512x128xi1>, vector<512x128xf32>
    %mul3A_118 = arith.constant 4 : i32
    %mul3A_119 = arith.muli %arg0, %mul3A_118 : i32
    %add3A_120 = arith.constant 1 : i32
    %add3A_121 = arith.addi %mul3A_119, %add3A_120 : i32
    %eq3A_122 = vector.broadcast %add3A_121 : i32 to vector<512x128xi32>
    %eq3A_123 = arith.cmpi eq, %iota3A_80, %eq3A_122 : vector<512x128xi32>
    %broadcast_in_dim3A_124 = vector.shape_cast %add3A_43 : vector<512x1xf32> to vector<512x1xf32>
    %broadcast_in_dim3A_125 = vector.broadcast %broadcast_in_dim3A_124 : vector<512x1xf32> to vector<512x128xf32>
    %select_n3A_126 = arith.select %eq3A_123, %broadcast_in_dim3A_125, %select_n3A_108 : vector<512x128xi1>, vector<512x128xf32>
    %mul3A_127 = arith.constant 4 : i32
    %mul3A_128 = arith.muli %arg0, %mul3A_127 : i32
    %add3A_129 = arith.constant 2 : i32
    %add3A_130 = arith.addi %mul3A_128, %add3A_129 : i32
    %eq3A_131 = vector.broadcast %add3A_130 : i32 to vector<512x128xi32>
    %eq3A_132 = arith.cmpi eq, %iota3A_80, %eq3A_131 : vector<512x128xi32>
    %broadcast_in_dim3A_133 = vector.shape_cast %broadcast_in_dim3A_51 : vector<512x1xf32> to vector<512x1xf32>
    %broadcast_in_dim3A_134 = vector.broadcast %broadcast_in_dim3A_133 : vector<512x1xf32> to vector<512x128xf32>
    %select_n3A_135 = arith.select %eq3A_132, %broadcast_in_dim3A_134, %select_n3A_117 : vector<512x128xi1>, vector<512x128xf32>
    %mul3A_136 = arith.constant 4 : i32
    %mul3A_137 = arith.muli %arg0, %mul3A_136 : i32
    %add3A_138 = arith.constant 2 : i32
    %add3A_139 = arith.addi %mul3A_137, %add3A_138 : i32
    %eq3A_140 = vector.broadcast %add3A_139 : i32 to vector<512x128xi32>
    %eq3A_141 = arith.cmpi eq, %iota3A_80, %eq3A_140 : vector<512x128xi32>
    %broadcast_in_dim3A_142 = vector.shape_cast %add3A_61 : vector<512x1xf32> to vector<512x1xf32>
    %broadcast_in_dim3A_143 = vector.broadcast %broadcast_in_dim3A_142 : vector<512x1xf32> to vector<512x128xf32>
    %select_n3A_144 = arith.select %eq3A_141, %broadcast_in_dim3A_143, %select_n3A_126 : vector<512x128xi1>, vector<512x128xf32>
    %mul3A_145 = arith.constant 4 : i32
    %mul3A_146 = arith.muli %arg0, %mul3A_145 : i32
    %add3A_147 = arith.constant 3 : i32
    %add3A_148 = arith.addi %mul3A_146, %add3A_147 : i32
    %eq3A_149 = vector.broadcast %add3A_148 : i32 to vector<512x128xi32>
    %eq3A_150 = arith.cmpi eq, %iota3A_80, %eq3A_149 : vector<512x128xi32>
    %broadcast_in_dim3A_151 = vector.shape_cast %broadcast_in_dim3A_69 : vector<512x1xf32> to vector<512x1xf32>
    %broadcast_in_dim3A_152 = vector.broadcast %broadcast_in_dim3A_151 : vector<512x1xf32> to vector<512x128xf32>
    %select_n3A_153 = arith.select %eq3A_150, %broadcast_in_dim3A_152, %select_n3A_135 : vector<512x128xi1>, vector<512x128xf32>
    %mul3A_154 = arith.constant 4 : i32
    %mul3A_155 = arith.muli %arg0, %mul3A_154 : i32
    %add3A_156 = arith.constant 3 : i32
    %add3A_157 = arith.addi %mul3A_155, %add3A_156 : i32
    %eq3A_158 = vector.broadcast %add3A_157 : i32 to vector<512x128xi32>
    %eq3A_159 = arith.cmpi eq, %iota3A_80, %eq3A_158 : vector<512x128xi32>
    %broadcast_in_dim3A_160 = vector.shape_cast %add3A_79 : vector<512x1xf32> to vector<512x1xf32>
    %broadcast_in_dim3A_161 = vector.broadcast %broadcast_in_dim3A_160 : vector<512x1xf32> to vector<512x128xf32>
    %select_n3A_162 = arith.select %eq3A_159, %broadcast_in_dim3A_161, %select_n3A_144 : vector<512x128xi1>, vector<512x128xf32>
    %mul3A_163 = arith.constant 512 : i32
    %mul3A_164 = arith.muli %arg1, %mul3A_163 : i32
    %swap3A = arith.index_cast %mul3A_164 : i32 to index
    %swap3A_165 = arith.constant 0 : index
    %swap3A_166 = vector.load %arg7[%swap3A, %swap3A_165] : memref<4096x128xf32, #tpu.memory_space<vmem>>, vector<512x128xf32>
    tpu.vector_store %arg7[%swap3A, %swap3A_165], %select_n3A_153 {strides = array<i32>} : memref<4096x128xf32, #tpu.memory_space<vmem>>, vector<512x128xf32>,
    %mul3A_167 = arith.constant 512 : i32
    %mul3A_168 = arith.muli %arg1, %mul3A_167 : i32
    %swap3A_169 = arith.index_cast %mul3A_168 : i32 to index
    %swap3A_170 = arith.constant 0 : index
    %swap3A_171 = vector.load %arg8[%swap3A_169, %swap3A_170] : memref<4096x128xf32, #tpu.memory_space<vmem>>, vector<512x128xf32>
    tpu.vector_store %arg8[%swap3A_169, %swap3A_170], %select_n3A_162 {strides = array<i32>} : memref<4096x128xf32, #tpu.memory_space<vmem>>, vector<512x128xf32>,
    %eq3A_172 = arith.constant 31 : i32
    %eq3A_173 = arith.cmpi eq, %arg0, %eq3A_172 : i32
    %convert_element_type3A_174 = arith.extui %eq3A_173 : i1 to i32
    %cond3A_175 = arith.constant 0 : i32
    %cond3A_176 = arith.cmpi ne, %convert_element_type3A_174, %cond3A_175 : i32
    scf.if %cond3A_176 {
      %swap3A_177 = arith.constant 0 : index
      %swap3A_178 = arith.constant 0 : index
      %swap3A_179 = vector.load %arg4[%swap3A_177, %swap3A_178] : memref<512x128xf32, #tpu.memory_space<vmem>>, vector<512x128xf32>
      tpu.vector_store %arg4[%swap3A_177, %swap3A_178], %select_n3A_153 {strides = array<i32>} : memref<512x128xf32, #tpu.memory_space<vmem>>, vector<512x128xf32>,
      %swap3A_180 = arith.constant 0 : index
      %swap3A_181 = arith.constant 0 : index
      %swap3A_182 = vector.load %arg5[%swap3A_180, %swap3A_181] : memref<512x128xf32, #tpu.memory_space<vmem>>, vector<512x128xf32>
      tpu.vector_store %arg5[%swap3A_180, %swap3A_181], %select_n3A_162 {strides = array<i32>} : memref<512x128xf32, #tpu.memory_space<vmem>>, vector<512x128xf32>,
    } else {
    }
    return
  }
  func.func @transform_0(%arg0: i32, %arg1: i32) -> (i32, i32) {
    %c0_i32 = arith.constant 0 : i32
    %c0_i32_0 = arith.constant 0 : i32
    return %arg1, %c0_i32 : i32, i32
  }
  func.func @transform_1(%arg0: i32, %arg1: i32) -> (i32, i32) {
    %c0_i32 = arith.constant 0 : i32
    %c0_i32_0 = arith.constant 0 : i32
    return %arg0, %c0_i32 : i32, i32
  }
  func.func @transform_2(%arg0: i32, %arg1: i32) -> (i32, i32) {
    %c0_i32 = arith.constant 0 : i32
    %c0_i32_0 = arith.constant 0 : i32
    return %arg1, %c0_i32 : i32, i32
  }
  func.func @transform_3(%arg0: i32, %arg1: i32) -> (i32, i32) {
    %c0_i32 = arith.constant 0 : i32
    %c0_i32_0 = arith.constant 0 : i32
    return %arg1, %c0_i32 : i32, i32
  }
}

module attributes {stable_mosaic.version = 14 : i64} {
  func.func @_mean_body(%arg0: i32, %arg1: memref<512x3072xf32, #tpu.memory_space<vmem>>, %arg2: memref<512x768xf32, #tpu.memory_space<vmem>>) attributes {dimension_semantics = [#tpu.dimension_semantics<arbitrary>], iteration_bounds = array<i64: 8>, scalar_prefetch = 0 : i64, scratch_operands = 0 : i64, tpu.core_type = #tpu.core_type<tc>, window_params = [{transform_indices = @transform_0, window_bounds = array<i64: 512, 3072>}, {transform_indices = @transform_1, window_bounds = array<i64: 512, 768>}]} {
    %get3A = arith.constant 0 : index
    %get3A_0 = arith.constant 0 : index
    %get3A_1 = vector.load %arg1[%get3A, %get3A_0] : memref<512x3072xf32, #tpu.memory_space<vmem>>, vector<512x3072xf32>
    %slice3A = vector.extract_strided_slice %get3A_1 {offsets = [0, 0], sizes = [512, 768], strides = [1, 1]} : vector<512x3072xf32> to vector<512x768xf32>
    %slice3A_2 = vector.extract_strided_slice %get3A_1 {offsets = [0, 768], sizes = [512, 768], strides = [1, 1]} : vector<512x3072xf32> to vector<512x768xf32>
    %add3A = arith.addf %slice3A, %slice3A_2 : vector<512x768xf32>
    %slice3A_3 = vector.extract_strided_slice %get3A_1 {offsets = [0, 1536], sizes = [512, 768], strides = [1, 1]} : vector<512x3072xf32> to vector<512x768xf32>
    %add3A_4 = arith.addf %add3A, %slice3A_3 : vector<512x768xf32>
    %slice3A_5 = vector.extract_strided_slice %get3A_1 {offsets = [0, 2304], sizes = [512, 768], strides = [1, 1]} : vector<512x3072xf32> to vector<512x768xf32>
    %add3A_6 = arith.addf %add3A_4, %slice3A_5 : vector<512x768xf32>
    %mul3A = arith.constant 2.500000e-01 : f32
    %mul3A_7 = vector.broadcast %mul3A : f32 to vector<512x768xf32>
    %mul3A_8 = arith.mulf %add3A_6, %mul3A_7 : vector<512x768xf32>
    %swap3A = arith.constant 0 : index
    %swap3A_9 = arith.constant 0 : index
    %swap3A_10 = vector.load %arg2[%swap3A, %swap3A_9] : memref<512x768xf32, #tpu.memory_space<vmem>>, vector<512x768xf32>
    tpu.vector_store %arg2[%swap3A, %swap3A_9], %mul3A_8 {strides = array<i32>} : memref<512x768xf32, #tpu.memory_space<vmem>>, vector<512x768xf32>,
    return
  }
  func.func @transform_0(%arg0: i32) -> (i32, i32) {
    %c0_i32 = arith.constant 0 : i32
    %c0_i32_0 = arith.constant 0 : i32
    return %arg0, %c0_i32 : i32, i32
  }
  func.func @transform_1(%arg0: i32) -> (i32, i32) {
    %c0_i32 = arith.constant 0 : i32
    %c0_i32_0 = arith.constant 0 : i32
    return %arg0, %c0_i32 : i32, i32
  }
}

</mosaic_0001>

<sc_bundles>
// kernel: kernel.6.cloned.1.call-start
scs
__scs_entry_jumppad:
0x0: {  	(pc) =	sbr.rel $0x88, $3  }
0x1: {  	(tag) =	ssettag $0x0;
	lr =	simm.s32 $0x1  }
0x2: {  	[smem:$0x3F9F] =	sst lr;
	_ =	strace $0xD0000000  }
0x3: {  	_ = 	snop  }
0x4: {  	_ = 	snop  }
0x5: {  	_ = 	snop  }
0x6: {  	_ = 	snop  }
0x7: {  	_ = 	snop  }
__scs_overlays_trampoline_lowered:
0x8: {  	[smem:$0x3FAE] =	sst s0  }
0x9: {  	[smem:$0x3FAF] =	sst s1  }
0xa: {  	[smem:$0x3FB0] =	sst s2  }
0xb: {  	[smem:$0x3FB1] =	sst s3  }
0xc: {  	[smem:$0x3FB2] =	sst s4  }
0xd: {  	[smem:$0x3FB3] =	sst s5  }
0xe: {  	[smem:$0x3FB4] =	sst s6  }
0xf: {  	[smem:$0x3FB5] =	sst s7  }
0x10: {  	[smem:$0x3FB6] =	sst s8  }
0x11: {  	[smem:$0x3FB7] =	sst s9;
	s0 =	simm.s32 @!p0 $0x0  }
0x12: {  	s1 =	sld [smem:$0x3F9D];
	s0 =	simm.s32 @p0 $0x1  }
0x13: {  	[smem:$0x3FB8] =	sst s0;
	s0 =	simm.s32 @!p1 $0x0  }
0x14: {  	s2 =	sld [smem:$0x3F9C];
	s0 =	simm.s32 @p1 $0x1  }
0x15: {  	[smem:$0x3FB9] =	sst s0;
	s0 =	simm.s32 @!p2 $0x0  }
0x16: {  	s3 =	sld [smem:$0x3FDB];
	s0 =	simm.s32 @p2 $0x1  }
0x17: {  	s4 =	simm.s32 $0x1BF5;
	[smem:$0x3FBB] =	sst s0  }
0x18: {  	s0 =	sld [smem:$0x3F9E];
	_ =	swait.ge [sflag:s4], $0x0  }
0x19: {  	s7 =	sld [smem:$0x3F9F]  }
0x1a: {  	s8 =	sadd.s32 $0xFFFFE003, lr  }
0x1b: {  	s9 =	sadd.s32 $0xFFFFFEF7, lr;
	s5 =	simm.s32 $0xFFFFFFFF;
	p2 =	slt.u32 s8, $0xFFFFF086  }
0x1c: {  	p1 =	slt.u32 s9, $0xF7A;
	s5 =	simm.s32 @!p2 $0x0  }
0x1d: {  	s5 =	simm.s32 @p1 $0x1;
	p0 =	seq.s32 s7, s2  }
0x1e: {  	s7 =	smul.u32 @!p0 $0xF7A, s2;
	p2 =	seq.s32 @!p0 s5, $0x0  }
0x1f: {  	s9 =	smul.u32 $0xF7A, s1;
	s8 =	simm.s32 @!p0 $0x1BF5;
	p2 =	por !p2, p0  }
0x20: {  	[sflag:s8] =	ssyncset.s32 @!p0 $0xFFFFF086;
	s6 =	sadd.s32 @!p0 s3, s7;
	s7 =	simm.s32 @!p0 $0x108  }
0x21: {  	s3 =	sadd.s32 s3, s9;
	s6 =	sadd.s32 @!p0 $0x88, s6;
	s7 =	simm.s32 @p2 $0x1082  }
0x22: {  	[simem:s7], [sflag:s8] =	dma.local @!p0 [hbm:s6], $0xF7A  }
0x23: {  	s9 =	sor.u32 $0xD0000000, s2;
	s6 =	simm.s32 $0x108;
	_ =	swait.ge @!p0 [sflag:s8], $0x0  }
0x24: {  	s3 =	sadd.s32 $0x88, s3;
	s6 =	simm.s32 @!p1 $0x1082;
	[sflag:s4] =	ssyncset.s32 $0xFFFFF086  }
0x25: {  	[simem:s6], [sflag:s4] =	dma.local [hbm:s3], $0xF7A  }
0x26: {  	[smem:$0x3F9F] =	sst s1;
	(tag) =	ssettag s2;
	_ =	strace s9  }
0x27: {  	s1 =	sld [smem:$0x3FAF]  }
0x28: {  	s2 =	sld [smem:$0x3FB0]  }
0x29: {  	s4 =	sld [smem:$0x3FB2]  }
0x2a: {  	p0 =	seq.s32 s5, $0x0;
	s5 =	sld [smem:$0x3FB3]  }
0x2b: {  	s6 =	sld [smem:$0x3FB4]  }
0x2c: {  	s7 =	sld [smem:$0x3FB5]  }
0x2d: {  	s3 =	simm.s32 $0x108;
	s8 =	sld [smem:$0x3FB6]  }
0x2e: {  	s3 =	simm.s32 @!p0 $0x1082;
	s9 =	sld [smem:$0x3FB7]  }
0x2f: {  	lr =	sadd.s32 s0, s3;
	s0 =	sld [smem:$0x3FAE]  }
0x30: {  	s3 =	sld [smem:$0x3FB1]  }
0x31: {  	[smem:$0x3FBA] =	sst s10  }
0x32: {  	s10 =	sld [smem:$0x3FB8];
	_ =	sdelay $0x3  }
0x33: {  	p0 =	seq.s32 s10, $0x1;
	s10 =	sld [smem:$0x3FBA];
	_ =	sdelay $0x3  }
0x34: {  	[smem:$0x3FBA] =	sst s10  }
0x35: {  	s10 =	sld [smem:$0x3FB9];
	_ =	sdelay $0x3  }
0x36: {  	p1 =	seq.s32 s10, $0x1;
	s10 =	sld [smem:$0x3FBA];
	_ =	sdelay $0x3  }
0x37: {  	[smem:$0x3FBA] =	sst s10  }
0x38: {  	s10 =	sld [smem:$0x3FBB]  }
0x39: {  	_ = 	snop;
	(pc) =	sbr.ind lr, $3  }
0x3a: {  	_ = 	snop  }
0x3b: {  	_ = 	snop  }
0x3c: {  	p2 =	seq.s32 s10, $0x1;
	s10 =	sld [smem:$0x3FBA]  }
0x3d: {  	_ =	shalt  }
0x3e: {  	_ =	shalt  }
0x3f: {  	_ =	shalt  }
0x40: {  	_ =	shalt  }
0x41: {  	_ =	shalt  }
0x42: {  	_ =	shalt  }
0x43: {  	_ =	shalt  }
0x44: {  	_ =	shalt  }
0x45: {  	_ =	shalt  }
0x46: {  	_ =	shalt  }
0x47: {  	_ =	shalt  }
0x48: {  	_ =	shalt  }
0x49: {  	_ =	shalt  }
0x4a: {  	_ =	shalt  }
0x4b: {  	_ =	shalt  }
0x4c: {  	_ =	shalt  }
0x4d: {  	_ =	shalt  }
0x4e: {  	_ =	shalt  }
0x4f: {  	_ =	shalt  }
0x50: {  	_ =	shalt  }
0x51: {  	_ =	shalt  }
0x52: {  	_ =	shalt  }
0x53: {  	_ =	shalt  }
0x54: {  	_ =	shalt  }
0x55: {  	_ =	shalt  }
0x56: {  	_ =	shalt  }
0x57: {  	_ =	shalt  }
0x58: {  	_ =	shalt  }
0x59: {  	_ =	shalt  }
0x5a: {  	_ =	shalt  }
0x5b: {  	_ =	shalt  }
0x5c: {  	_ =	shalt  }
0x5d: {  	_ =	shalt  }
0x5e: {  	_ =	shalt  }
0x5f: {  	_ =	shalt  }
0x60: {  	_ =	shalt  }
0x61: {  	_ =	shalt  }
0x62: {  	_ =	shalt  }
0x63: {  	_ =	shalt  }
0x64: {  	_ =	shalt  }
0x65: {  	_ =	shalt  }
0x66: {  	_ =	shalt  }
0x67: {  	_ =	shalt  }
0x68: {  	_ =	shalt  }
0x69: {  	_ =	shalt  }
0x6a: {  	_ =	shalt  }
0x6b: {  	_ =	shalt  }
0x6c: {  	_ =	shalt  }
0x6d: {  	_ =	shalt  }
0x6e: {  	_ =	shalt  }
0x6f: {  	_ =	shalt  }
0x70: {  	_ =	shalt  }
0x71: {  	_ =	shalt  }
0x72: {  	_ =	shalt  }
0x73: {  	_ =	shalt  }
0x74: {  	_ =	shalt  }
0x75: {  	_ =	shalt  }
0x76: {  	_ =	shalt  }
0x77: {  	_ =	shalt  }
0x78: {  	_ =	shalt  }
0x79: {  	_ =	shalt  }
0x7a: {  	_ =	shalt  }
0x7b: {  	_ =	shalt  }
0x7c: {  	_ =	shalt  }
0x7d: {  	_ =	shalt  }
0x7e: {  	_ =	shalt  }
0x7f: {  	_ =	shalt  }
0x80: {  	_ =	shalt  }
0x81: {  	_ =	shalt  }
0x82: {  	_ =	shalt  }
0x83: {  	_ =	shalt  }
0x84: {  	_ =	shalt  }
0x85: {  	_ =	shalt  }
0x86: {  	_ =	shalt  }
0x87: {  	_ =	shalt  }
.Lfunc_end0:
.L_simem_size_0:
called_computation_lowered:
.L_overlay_start_0:
0x88: {  	s2 =	sld [smem:$0x3FD9]  }
0x89: {  	s3 =	sld [smem:$0x3FFE];
	_ =	sdelay $0x1  }
0x8a: {  	s1 =	srdreg.scid  }
0x8b: {  	s0 =	sand.u32 $0x1, s1  }
0x8c: {  	s17 =	sshll.u32 s0, $0xA;
	s2 =	sadd.s32 s3, s2  }
0x8d: {  	s2 =	sadd.s32 s2, s17  }
0x8e: {  	[smem:$0x3FC6] =	sst s2  }
0x8f: {  	_ = 	snop  }
0x90: {  	s2 =	sld [smem:$0x3FC8]  }
0x91: {  	s18 =	sld [smem:$0x3FD0];
	(tm) =	ssettm $0x1  }
0x92: {  	s4 =	sld [smem:$0x3FFB];
	_ =	sdelay $0x3  }
0x93: {  	_ =	strace s4  }
0x94: {  	s4 =	sld [smem:$0x3FFC];
	_ =	sdelay $0x3  }
0x95: {  	_ =	strace s4  }
0x96: {  	s4 =	sld [smem:$0x3FFD];
	_ =	sdelay $0x3  }
0x97: {  	_ =	strace s4  }
0x98: {  	_ =	strace $0x8FFFFFFF  }
0x99: {  	s19 =	sld [smem:$0x3FDB];
	_ =	sdelay $0x1  }
0x9a: {  	s5 =	simm.s32 $_scs_section_size  }
0x9b: {  	s6 =	simm.s32 $_size__tile_overlayer_lowered;
	s7 =	simm.s32 $_tile_overlayer_lowered  }
0x9c: {  	s22 =	simm.s32 $0x1BFF;
	s21 =	sshll.u32 s7, $0x1;
	s4 =	sadd.s32 s5, s19  }
0x9d: {  	s8 =	simm.s32 $0x0;
	s20 =	sshll.u32 s6, $0x1;
	s6 =	sadd.s32 s21, s4  }
0x9e: {  	[timem:s8], [sflag:s22] =	dma.local [hbm:s6], s20  }
0x9f: {  	_ =	swait.ge [sflag:s22], s20  }
0xa0: {  	s5 =	ssub.s32 $0x0, s20;
	[sflag:s22] =	ssyncset.done $0x0  }
0xa1: {  	[sflag:s22] =	ssyncadd.s32 s5;
	_ =	sdelay $0x1  }
0xa2: {  	s23 =	simm.s32 $0x1B8B  }
0xa3: {  	_ =	swait.ge [sflag:s23], $0x1  }
0xa4: {  	[sflag:s23] =	ssyncset.done $0x0  }
0xa5: {  	s25 =	simm.s32 $0x1B8E;
	s24 =	sld [smem:$0x3FFE];
	[sflag:s23] =	ssyncadd.s32 $0xFFFFFFFF  }
0xa6: {  	s26 =	simm.s32 $execute0_lowered;
	[smem:$0x3FD2] =	sst s25  }
0xa7: {  	s6 =	sshll.u32 s26, $0x1;
	_ =	strace $0x80000046;
	[dreg:$0x1] =	wrdreg $0xFFFFFFFF  }
0xa8: {  	s28 =	simm.s32 $_size_execute0_lowered;
	s4 =	sadd.s32 s4, s6;
	[dreg:$0x0] =	wrdreg $0x0  }
0xa9: {  	s6 =	sshll.u32 s28, $0x1;
	[dreg:$0x2] =	wrdreg s4  }
0xaa: {  	[dreg:$0x3] =	wrdreg s6  }
0xab: {  	[dreg:$0x4] =	wrdreg $0xC0  }
0xac: {  	_ =	task [dreg:s8], $0x5FFFF  }
0xad: {  	[dreg:$0x1] =	wrdreg $0xFFFFFFFF  }
0xae: {  	[dreg:$0x0] =	wrdreg $0x60  }
0xaf: {  	[dreg:$0x2] =	wrdreg s2  }
0xb0: {  	[dreg:$0x3] =	wrdreg s18  }
0xb1: {  	[dreg:$0x4] =	wrdreg s24  }
0xb2: {  	[dreg:$0x5] =	wrdreg $0x9  }
0xb3: {  	_ =	task.clear_ibuf [dreg:s8], $0x6FFFF;
	_ =	strace $0x90000046  }
0xb4: {  	s29 =	simm.s32 $0x9;
	_ =	strace $0x80000048  }
0xb5: {  	_ =	swait.ge [sflag:s29], $0x1  }
0xb6: {  	[sflag:s29] =	ssyncadd.s32 $0xFFFFFFFF  }
0xb7: {  	_ =	strace $0x90000048  }
0xb8: {  	_ =	sfence  }
0xb9: {  	s30 =	sld [smem:$0x0];
	_ =	sdelay $0x2  }
0xba: {  	s31 =	sshll.u32 s1, $0xD;
	s1 =	sshrl.u32 s1, $0x2  }
0xbb: {  	s3 =	sand.u32 $0x4000, s31;
	s1 =	sadd.s32 s1, s30  }
0xbc: {  	s0 =	sor.u32 s3, s0;
	s1 =	sshll.u32 s1, $0x11  }
0xbd: {  	s0 =	sor.u32 s1, s0  }
0xbe: {  	s0 =	sadd.s32 $0x8F2B, s0  }
0xbf: {  	[sflag:s0] =	ssyncadd.remote.s32 $0x1  }
0xc0: {  	_ =	sfence.sel $0xFFFF  }
0xc1: {  	[dreg:$0x0] =	wrdreg $0xFFFFFFFF;
	(pc) =	sbr.abs _section_cstart, $3  }
0xc2: {  	[dreg:$0x1] =	wrdreg $0xFFFFFFFF  }
0xc3: {  	_ =	task.clear_ibuf [dreg:s8], $0x2FFFF;
	_ =	strace $0x9FFFFFFF  }
0xc4: {  	(tm) =	ssettm $0x7FFFFFFF  }
0xc5: {  	_ =	shalt  }
tec
execute0_lowered:
.L_overlay_start_1:
0x0: {  	(tag) =	ssettag $0x1  }
0x1: {  	s0 =	srdreg.scid;
	s1 =	rddreg [dreg:$0x0]  }
0x2: {  	s3 =	stileid.u32;
	s2 =	rddreg [dreg:$0x1]  }
0x3: {  	s5 =	rddreg [dreg:$0x2];
	s8 =	simm.s32 $0x3;
	s0 =	sand.u32 $0x1, s0  }
0x4: {  	s16 =	simm.s32 $0x200;
	s3 =	sshll.u32 s3, $0x7;
	s4 =	sshll.u32 s0, $0x6  }
0x5: {  	s10 =	simm.s32 $0x1;
	s11 =	simm.s32 $0x2;
	s4 =	sor.u32 s4, s3  }
0x6: {  	s5 =	sadd.s32 $0x800, s5;
	s3 =	simm.s32 $0x0;
	s6 =	smul.u32 $0x300, s4  }
0x7: {  	[smem:$0x7FF] =	sst s3;
	s7 =	smul.u32 $0x1800, s4;
	s2 =	sadd.s32 s2, s4  }
0x8: {  	_ =	strace $0x80000047;
	[dreg:$0x4] =	wrdreg s2;
	s6 =	sadd.s32 s5, s6  }
0x9: {  	s23 =	sshrl.u32 s7, $0x3;
	s22 =	sadd.s32 $0x1800, s6;
	[dreg:$0xc] =	wrdreg s6  }
0xa: {  	s24 =	sadd.s32 $0x3000, s6;
	s4 =	sadd.s32 s5, s23;
	[dreg:$0x5] =	wrdreg s22  }
0xb: {  	s0 =	ssub.s32 $0x2, s0;
	[dreg:$0x6] =	wrdreg s24;
	s25 =	sadd.s32 $0x4800, s4  }
0xc: {  	s28 =	sshrl.u32 s0, $0x1;
	s26 =	sadd.s32 $0x6000, s4;
	[dreg:$0x7] =	wrdreg s25  }
0xd: {  	s0 =	ssub.s32 s0, s28;
	s29 =	sadd.s32 $0x7800, s4;
	[dreg:$0x8] =	wrdreg s26  }
0xe: {  	v2 =	vlaneseq.u32;
	s7 =	smax.u32 s0, $0x1;
	s30 =	sadd.s32 $0x9000, s4;
	[dreg:$0x9] =	wrdreg s29  }
0xf: {  	vm0 =	vmmov $0xffff;
	v1 =	vshrl.u32 v2, $0x3;
	s5 =	sadd.s32 $0x100, s1;
	s31 =	sadd.s32 $0xA800, s4;
	[dreg:$0xa] =	wrdreg s30  }
0x10: {  	v0 =	vand.u32 $0x7, v2;
	v2 =	vor.u32 $0x8, v2;
	v1 =	vmul.u32 $0x8, v1;
	s6 =	sadd.s32 $0x200, s1;
	s4 =	simm.s32 $0xC200;
	[dreg:$0xb] =	wrdreg s31  }
.LBB2_1:
0x11: {  	s12 =	rddreg [dreg:$0x4]  }
0x12: {  	[tilespmem:s3], [sflag:$0x3] =	stream.linear.gather [hbm4b:s12+s3], $0x200, $0x38;
	[tilespmem:$0x18200] =	vst v63  }
0x13: {  	_ =	swait.ge [sflag:s8], $0x200  }
0x14: {  	[sflag:s8] =	ssyncset.done $0x0  }
0x15: {  	[sflag:s8] =	ssyncadd.s32 $0xFFFFFE00  }
0x16: {  	v3 =	vld [tilespmem:$0x0];
	_ =	sdelay $0x4  }
0x17: {  	v4 =	vshrl.u32 v3, $0x3  }
0x18: {  	v4 =	vmul.u32 $0x30, v4  }
0x19: {  	v3 =	vand.u32 $0x7, v3  }
0x1a: {  	v3 =	vor.u32 v3, v4  }
0x1b: {  	v4 =	vperm.xlane v3, v0;
	_ =	sdelay $0x1  }
0x1c: {  	v4 =	vadd.s32 v1, v4;
	_ =	sdelay $0x3  }
0x1d: {  	v3 =	vperm.xlane v3, v2  }
0x1e: {  	[tilespmem:s16], [sflag:$0x1] =	stream.indirect_vreg.gather [hbm4b:s1+s3], $0x80, v4, vm0, $0xb8;
	[tilespmem:$0x18200] =	vst v63  }
0x1f: {  	s0 =	simm.s32 $0xA00;
	v3 =	vadd.s32 v1, v3  }
0x20: {  	[tilespmem:s0], [sflag:$0x1] =	stream.indirect_vreg.gather [hbm4b:s5+s3], $0x80, v4, vm0, $0xb8;
	[tilespmem:$0x18200] =	vst v63  }
0x21: {  	s28 =	simm.s32 $0x1200  }
0x22: {  	[tilespmem:s28], [sflag:$0x1] =	stream.indirect_vreg.gather [hbm4b:s6+s3], $0x80, v4, vm0, $0xb8;
	[tilespmem:$0x18200] =	vst v63  }
0x23: {  	s29 =	simm.s32 $0x1A00  }
0x24: {  	[tilespmem:s29], [sflag:$0x1] =	stream.indirect_vreg.gather [hbm4b:s1+s3], $0x80, v3, vm0, $0xb8;
	[tilespmem:$0x18200] =	vst v63  }
0x25: {  	s30 =	simm.s32 $0x2200  }
0x26: {  	[tilespmem:s30], [sflag:$0x1] =	stream.indirect_vreg.gather [hbm4b:s5+s3], $0x80, v3, vm0, $0xb8;
	[tilespmem:$0x18200] =	vst v63  }
0x27: {  	s31 =	simm.s32 $0x2A00  }
0x28: {  	[tilespmem:s31], [sflag:$0x1] =	stream.indirect_vreg.gather [hbm4b:s6+s3], $0x80, v3, vm0, $0xb8;
	[tilespmem:$0x18200] =	vst v63  }
0x29: {  	v3 =	vld [tilespmem:$0x10];
	_ =	sdelay $0x4  }
0x2a: {  	v33 =	vshrl.u32 v3, $0x3  }
0x2b: {  	v4 =	vmul.u32 $0x30, v33  }
0x2c: {  	v3 =	vand.u32 $0x7, v3  }
0x2d: {  	v3 =	vor.u32 v3, v4  }
0x2e: {  	v4 =	vperm.xlane v3, v0;
	_ =	sdelay $0x1  }
0x2f: {  	v4 =	vadd.s32 v1, v4;
	_ =	sdelay $0x3  }
0x30: {  	s2 =	simm.s32 $0x3200;
	v3 =	vperm.xlane v3, v2  }
0x31: {  	[tilespmem:s2], [sflag:$0x1] =	stream.indirect_vreg.gather [hbm4b:s1+s3], $0x80, v4, vm0, $0xb8;
	[tilespmem:$0x18200] =	vst v63  }
0x32: {  	s9 =	simm.s32 $0x3A00;
	v3 =	vadd.s32 v1, v3  }
0x33: {  	[tilespmem:s9], [sflag:$0x1] =	stream.indirect_vreg.gather [hbm4b:s5+s3], $0x80, v4, vm0, $0xb8;
	[tilespmem:$0x18200] =	vst v63  }
0x34: {  	s12 =	simm.s32 $0x4200  }
0x35: {  	[tilespmem:s12], [sflag:$0x1] =	stream.indirect_vreg.gather [hbm4b:s6+s3], $0x80, v4, vm0, $0xb8;
	[tilespmem:$0x18200] =	vst v63  }
0x36: {  	s15 =	simm.s32 $0x4A00  }
0x37: {  	[tilespmem:s15], [sflag:$0x1] =	stream.indirect_vreg.gather [hbm4b:s1+s3], $0x80, v3, vm0, $0xb8;
	[tilespmem:$0x18200] =	vst v63  }
0x38: {  	s17 =	simm.s32 $0x5200  }
0x39: {  	[tilespmem:s17], [sflag:$0x1] =	stream.indirect_vreg.gather [hbm4b:s5+s3], $0x80, v3, vm0, $0xb8;
	[tilespmem:$0x18200] =	vst v63  }
0x3a: {  	s18 =	simm.s32 $0x5A00  }
0x3b: {  	[tilespmem:s18], [sflag:$0x1] =	stream.indirect_vreg.gather [hbm4b:s6+s3], $0x80, v3, vm0, $0xb8;
	[tilespmem:$0x18200] =	vst v63  }
0x3c: {  	v3 =	vld [tilespmem:$0x20];
	_ =	sdelay $0x4  }
0x3d: {  	v34 =	vshrl.u32 v3, $0x3  }
0x3e: {  	v4 =	vmul.u32 $0x30, v34  }
0x3f: {  	v3 =	vand.u32 $0x7, v3  }
0x40: {  	v3 =	vor.u32 v3, v4  }
0x41: {  	v4 =	vperm.xlane v3, v0;
	_ =	sdelay $0x1  }
0x42: {  	v4 =	vadd.s32 v1, v4;
	_ =	sdelay $0x3  }
0x43: {  	s19 =	simm.s32 $0x6200;
	v3 =	vperm.xlane v3, v2  }
0x44: {  	[tilespmem:s19], [sflag:$0x1] =	stream.indirect_vreg.gather [hbm4b:s1+s3], $0x80, v4, vm0, $0xb8;
	[tilespmem:$0x18200] =	vst v63  }
0x45: {  	s20 =	simm.s32 $0x6A00;
	v3 =	vadd.s32 v1, v3  }
0x46: {  	[tilespmem:s20], [sflag:$0x1] =	stream.indirect_vreg.gather [hbm4b:s5+s3], $0x80, v4, vm0, $0xb8;
	[tilespmem:$0x18200] =	vst v63  }
0x47: {  	s21 =	simm.s32 $0x7200  }
0x48: {  	[tilespmem:s21], [sflag:$0x1] =	stream.indirect_vreg.gather [hbm4b:s6+s3], $0x80, v4, vm0, $0xb8;
	[tilespmem:$0x18200] =	vst v63  }
0x49: {  	s22 =	simm.s32 $0x7A00  }
0x4a: {  	[tilespmem:s22], [sflag:$0x1] =	stream.indirect_vreg.gather [hbm4b:s1+s3], $0x80, v3, vm0, $0xb8;
	[tilespmem:$0x18200] =	vst v63  }
0x4b: {  	s23 =	simm.s32 $0x8200  }
0x4c: {  	[tilespmem:s23], [sflag:$0x1] =	stream.indirect_vreg.gather [hbm4b:s5+s3], $0x80, v3, vm0, $0xb8;
	[tilespmem:$0x18200] =	vst v63  }
0x4d: {  	s24 =	simm.s32 $0x8A00  }
0x4e: {  	[tilespmem:s24], [sflag:$0x1] =	stream.indirect_vreg.gather [hbm4b:s6+s3], $0x80, v3, vm0, $0xb8;
	[tilespmem:$0x18200] =	vst v63  }
0x4f: {  	v3 =	vld [tilespmem:$0x30];
	_ =	sdelay $0x4  }
0x50: {  	v35 =	vshrl.u32 v3, $0x3  }
0x51: {  	v4 =	vmul.u32 $0x30, v35  }
0x52: {  	v3 =	vand.u32 $0x7, v3  }
0x53: {  	v3 =	vor.u32 v3, v4  }
0x54: {  	v4 =	vperm.xlane v3, v0;
	_ =	sdelay $0x1  }
0x55: {  	v4 =	vadd.s32 v1, v4;
	_ =	sdelay $0x3  }
0x56: {  	s28 =	simm.s32 $0x9200;
	v3 =	vperm.xlane v3, v2  }
0x57: {  	[tilespmem:s28], [sflag:$0x1] =	stream.indirect_vreg.gather [hbm4b:s1+s3], $0x80, v4, vm0, $0xb8;
	[tilespmem:$0x18200] =	vst v63  }
0x58: {  	s29 =	simm.s32 $0x9A00;
	v3 =	vadd.s32 v1, v3  }
0x59: {  	[tilespmem:s29], [sflag:$0x1] =	stream.indirect_vreg.gather [hbm4b:s5+s3], $0x80, v4, vm0, $0xb8;
	[tilespmem:$0x18200] =	vst v63  }
0x5a: {  	s2 =	simm.s32 $0xA200  }
0x5b: {  	[tilespmem:s2], [sflag:$0x1] =	stream.indirect_vreg.gather [hbm4b:s6+s3], $0x80, v4, vm0, $0xb8;
	[tilespmem:$0x18200] =	vst v63  }
0x5c: {  	s9 =	simm.s32 $0xAA00  }
0x5d: {  	[tilespmem:s9], [sflag:$0x1] =	stream.indirect_vreg.gather [hbm4b:s1+s3], $0x80, v3, vm0, $0xb8;
	[tilespmem:$0x18200] =	vst v63  }
0x5e: {  	s12 =	simm.s32 $0xB200  }
0x5f: {  	[tilespmem:s12], [sflag:$0x1] =	stream.indirect_vreg.gather [hbm4b:s5+s3], $0x80, v3, vm0, $0xb8;
	[tilespmem:$0x18200] =	vst v63  }
0x60: {  	s15 =	simm.s32 $0xBA00  }
0x61: {  	[tilespmem:s15], [sflag:$0x1] =	stream.indirect_vreg.gather [hbm4b:s6+s3], $0x80, v3, vm0, $0xb8;
	[tilespmem:$0x18200] =	vst v63  }
0x62: {  	v3 =	vld [tilespmem:$0x40];
	_ =	sdelay $0x4  }
0x63: {  	v36 =	vshrl.u32 v3, $0x3  }
0x64: {  	v4 =	vmul.u32 $0x30, v36  }
0x65: {  	v3 =	vand.u32 $0x7, v3  }
0x66: {  	v3 =	vor.u32 v3, v4  }
0x67: {  	v4 =	vperm.xlane v3, v0;
	_ =	sdelay $0x1  }
0x68: {  	v4 =	vadd.s32 v1, v4;
	_ =	sdelay $0x3  }
0x69: {  	v3 =	vperm.xlane v3, v2  }
0x6a: {  	[tilespmem:s4], [sflag:$0x2] =	stream.indirect_vreg.gather [hbm4b:s1+s3], $0x80, v4, vm0, $0xb8;
	[tilespmem:$0x18200] =	vst v63  }
0x6b: {  	s17 =	simm.s32 $0xCA00;
	v3 =	vadd.s32 v1, v3  }
0x6c: {  	[tilespmem:s17], [sflag:$0x2] =	stream.indirect_vreg.gather [hbm4b:s5+s3], $0x80, v4, vm0, $0xb8;
	[tilespmem:$0x18200] =	vst v63  }
0x6d: {  	s18 =	simm.s32 $0xD200  }
0x6e: {  	[tilespmem:s18], [sflag:$0x2] =	stream.indirect_vreg.gather [hbm4b:s6+s3], $0x80, v4, vm0, $0xb8;
	[tilespmem:$0x18200] =	vst v63  }
0x6f: {  	s19 =	simm.s32 $0xDA00  }
0x70: {  	[tilespmem:s19], [sflag:$0x2] =	stream.indirect_vreg.gather [hbm4b:s1+s3], $0x80, v3, vm0, $0xb8;
	[tilespmem:$0x18200] =	vst v63  }
0x71: {  	s20 =	simm.s32 $0xE200  }
0x72: {  	[tilespmem:s20], [sflag:$0x2] =	stream.indirect_vreg.gather [hbm4b:s5+s3], $0x80, v3, vm0, $0xb8;
	[tilespmem:$0x18200] =	vst v63  }
0x73: {  	s21 =	simm.s32 $0xEA00  }
0x74: {  	[tilespmem:s21], [sflag:$0x2] =	stream.indirect_vreg.gather [hbm4b:s6+s3], $0x80, v3, vm0, $0xb8;
	[tilespmem:$0x18200] =	vst v63  }
0x75: {  	v3 =	vld [tilespmem:$0x50];
	_ =	sdelay $0x4  }
0x76: {  	v37 =	vshrl.u32 v3, $0x3  }
0x77: {  	v4 =	vmul.u32 $0x30, v37  }
0x78: {  	v3 =	vand.u32 $0x7, v3  }
0x79: {  	v3 =	vor.u32 v3, v4  }
0x7a: {  	v4 =	vperm.xlane v3, v0;
	_ =	sdelay $0x1  }
0x7b: {  	v4 =	vadd.s32 v1, v4;
	_ =	sdelay $0x3  }
0x7c: {  	s22 =	simm.s32 $0xF200;
	v3 =	vperm.xlane v3, v2  }
0x7d: {  	[tilespmem:s22], [sflag:$0x2] =	stream.indirect_vreg.gather [hbm4b:s1+s3], $0x80, v4, vm0, $0xb8;
	[tilespmem:$0x18200] =	vst v63  }
0x7e: {  	s23 =	simm.s32 $0xFA00;
	v3 =	vadd.s32 v1, v3  }
0x7f: {  	[tilespmem:s23], [sflag:$0x2] =	stream.indirect_vreg.gather [hbm4b:s5+s3], $0x80, v4, vm0, $0xb8;
	[tilespmem:$0x18200] =	vst v63  }
0x80: {  	s24 =	simm.s32 $0x10200  }
0x81: {  	[tilespmem:s24], [sflag:$0x2] =	stream.indirect_vreg.gather [hbm4b:s6+s3], $0x80, v4, vm0, $0xb8;
	[tilespmem:$0x18200] =	vst v63  }
0x82: {  	s28 =	simm.s32 $0x10A00  }
0x83: {  	[tilespmem:s28], [sflag:$0x2] =	stream.indirect_vreg.gather [hbm4b:s1+s3], $0x80, v3, vm0, $0xb8;
	[tilespmem:$0x18200] =	vst v63  }
0x84: {  	s29 =	simm.s32 $0x11200  }
0x85: {  	[tilespmem:s29], [sflag:$0x2] =	stream.indirect_vreg.gather [hbm4b:s5+s3], $0x80, v3, vm0, $0xb8;
	[tilespmem:$0x18200] =	vst v63  }
0x86: {  	s0 =	simm.s32 $0x11A00  }
0x87: {  	[tilespmem:s0], [sflag:$0x2] =	stream.indirect_vreg.gather [hbm4b:s6+s3], $0x80, v3, vm0, $0xb8;
	[tilespmem:$0x18200] =	vst v63  }
0x88: {  	v3 =	vld [tilespmem:$0x60];
	_ =	sdelay $0x4  }
0x89: {  	v38 =	vshrl.u32 v3, $0x3  }
0x8a: {  	v4 =	vmul.u32 $0x30, v38  }
0x8b: {  	v3 =	vand.u32 $0x7, v3  }
0x8c: {  	v3 =	vor.u32 v3, v4  }
0x8d: {  	v4 =	vperm.xlane v3, v0;
	_ =	sdelay $0x1  }
0x8e: {  	v4 =	vadd.s32 v1, v4;
	_ =	sdelay $0x3  }
0x8f: {  	s2 =	simm.s32 $0x12200;
	v3 =	vperm.xlane v3, v2  }
0x90: {  	[tilespmem:s2], [sflag:$0x2] =	stream.indirect_vreg.gather [hbm4b:s1+s3], $0x80, v4, vm0, $0xb8;
	[tilespmem:$0x18200] =	vst v63  }
0x91: {  	s9 =	simm.s32 $0x12A00;
	v3 =	vadd.s32 v1, v3  }
0x92: {  	[tilespmem:s9], [sflag:$0x2] =	stream.indirect_vreg.gather [hbm4b:s5+s3], $0x80, v4, vm0, $0xb8;
	[tilespmem:$0x18200] =	vst v63  }
0x93: {  	s17 =	simm.s32 $0x13200  }
0x94: {  	[tilespmem:s17], [sflag:$0x2] =	stream.indirect_vreg.gather [hbm4b:s6+s3], $0x80, v4, vm0, $0xb8;
	[tilespmem:$0x18200] =	vst v63  }
0x95: {  	s20 =	simm.s32 $0x13A00  }
0x96: {  	[tilespmem:s20], [sflag:$0x2] =	stream.indirect_vreg.gather [hbm4b:s1+s3], $0x80, v3, vm0, $0xb8;
	[tilespmem:$0x18200] =	vst v63  }
0x97: {  	s21 =	simm.s32 $0x14200  }
0x98: {  	[tilespmem:s21], [sflag:$0x2] =	stream.indirect_vreg.gather [hbm4b:s5+s3], $0x80, v3, vm0, $0xb8;
	[tilespmem:$0x18200] =	vst v63  }
0x99: {  	s22 =	simm.s32 $0x14A00  }
0x9a: {  	[tilespmem:s22], [sflag:$0x2] =	stream.indirect_vreg.gather [hbm4b:s6+s3], $0x80, v3, vm0, $0xb8;
	[tilespmem:$0x18200] =	vst v63  }
0x9b: {  	v3 =	vld [tilespmem:$0x70];
	_ =	sdelay $0x4  }
0x9c: {  	v39 =	vshrl.u32 v3, $0x3  }
0x9d: {  	v4 =	vmul.u32 $0x30, v39  }
0x9e: {  	v3 =	vand.u32 $0x7, v3  }
0x9f: {  	v3 =	vor.u32 v3, v4  }
0xa0: {  	v4 =	vperm.xlane v3, v0;
	_ =	sdelay $0x1  }
0xa1: {  	v4 =	vadd.s32 v1, v4;
	_ =	sdelay $0x3  }
0xa2: {  	s23 =	simm.s32 $0x15200;
	v3 =	vperm.xlane v3, v2  }
0xa3: {  	[tilespmem:s23], [sflag:$0x2] =	stream.indirect_vreg.gather [hbm4b:s1+s3], $0x80, v4, vm0, $0xb8;
	[tilespmem:$0x18200] =	vst v63  }
0xa4: {  	s24 =	simm.s32 $0x15A00;
	v3 =	vadd.s32 v1, v3  }
0xa5: {  	[tilespmem:s24], [sflag:$0x2] =	stream.indirect_vreg.gather [hbm4b:s5+s3], $0x80, v4, vm0, $0xb8;
	[tilespmem:$0x18200] =	vst v63  }
0xa6: {  	s28 =	simm.s32 $0x16200  }
0xa7: {  	[tilespmem:s28], [sflag:$0x2] =	stream.indirect_vreg.gather [hbm4b:s6+s3], $0x80, v4, vm0, $0xb8;
	[tilespmem:$0x18200] =	vst v63  }
0xa8: {  	s29 =	simm.s32 $0x16A00  }
0xa9: {  	[tilespmem:s29], [sflag:$0x2] =	stream.indirect_vreg.gather [hbm4b:s1+s3], $0x80, v3, vm0, $0xb8;
	[tilespmem:$0x18200] =	vst v63  }
0xaa: {  	s0 =	simm.s32 $0x17200  }
0xab: {  	[tilespmem:s0], [sflag:$0x2] =	stream.indirect_vreg.gather [hbm4b:s5+s3], $0x80, v3, vm0, $0xb8;
	[tilespmem:$0x18200] =	vst v63  }
0xac: {  	s2 =	simm.s32 $0x17A00  }
0xad: {  	[tilespmem:s2], [sflag:$0x2] =	stream.indirect_vreg.gather [hbm4b:s6+s3], $0x80, v3, vm0, $0xb8;
	[tilespmem:$0x18200] =	vst v63  }
0xae: {  	_ =	swait.ge [sflag:s10], $0xC000  }
0xaf: {  	[sflag:s10] =	ssyncset.done $0x0  }
0xb0: {  	s9 =	rddreg [dreg:$0xc];
	[sflag:s10] =	ssyncadd.s32 $0xFFFF4000  }
0xb1: {  	[hbm4b:s9+s3] =	stream.linear.scatter [tilespmem:s16], [sflag:$0x3], $0xC000, $0x38;
	[tilespmem:$0x18200] =	vst v63  }
0xb2: {  	_ =	swait.ge [sflag:s8], $0xC000  }
0xb3: {  	[sflag:s8] =	ssyncset.done $0x0  }
0xb4: {  	[sflag:s8] =	ssyncadd.s32 $0xFFFF4000  }
0xb5: {  	v3 =	vld [tilespmem:$0x80];
	_ =	sdelay $0x4  }
0xb6: {  	v40 =	vshrl.u32 v3, $0x3  }
0xb7: {  	v4 =	vmul.u32 $0x30, v40  }
0xb8: {  	v3 =	vand.u32 $0x7, v3  }
0xb9: {  	v3 =	vor.u32 v3, v4  }
0xba: {  	v4 =	vperm.xlane v3, v0;
	_ =	sdelay $0x1  }
0xbb: {  	v4 =	vadd.s32 v1, v4;
	_ =	sdelay $0x3  }
0xbc: {  	v3 =	vperm.xlane v3, v2  }
0xbd: {  	[tilespmem:s16], [sflag:$0x1] =	stream.indirect_vreg.gather [hbm4b:s1+s3], $0x80, v4, vm0, $0xb8;
	[tilespmem:$0x18200] =	vst v63  }
0xbe: {  	s0 =	simm.s32 $0xA00;
	v3 =	vadd.s32 v1, v3  }
0xbf: {  	[tilespmem:s0], [sflag:$0x1] =	stream.indirect_vreg.gather [hbm4b:s5+s3], $0x80, v4, vm0, $0xb8;
	[tilespmem:$0x18200] =	vst v63  }
0xc0: {  	s2 =	simm.s32 $0x1200  }
0xc1: {  	[tilespmem:s2], [sflag:$0x1] =	stream.indirect_vreg.gather [hbm4b:s6+s3], $0x80, v4, vm0, $0xb8;
	[tilespmem:$0x18200] =	vst v63  }
0xc2: {  	s9 =	simm.s32 $0x1A00  }
0xc3: {  	[tilespmem:s9], [sflag:$0x1] =	stream.indirect_vreg.gather [hbm4b:s1+s3], $0x80, v3, vm0, $0xb8;
	[tilespmem:$0x18200] =	vst v63  }
0xc4: {  	s20 =	simm.s32 $0x2200  }
0xc5: {  	[tilespmem:s20], [sflag:$0x1] =	stream.indirect_vreg.gather [hbm4b:s5+s3], $0x80, v3, vm0, $0xb8;
	[tilespmem:$0x18200] =	vst v63  }
0xc6: {  	s13 =	simm.s32 $0x2A00  }
0xc7: {  	[tilespmem:s13], [sflag:$0x1] =	stream.indirect_vreg.gather [hbm4b:s6+s3], $0x80, v3, vm0, $0xb8;
	[tilespmem:$0x18200] =	vst v63  }
0xc8: {  	v3 =	vld [tilespmem:$0x90];
	_ =	sdelay $0x4  }
0xc9: {  	v41 =	vshrl.u32 v3, $0x3  }
0xca: {  	v4 =	vmul.u32 $0x30, v41  }
0xcb: {  	v3 =	vand.u32 $0x7, v3  }
0xcc: {  	v3 =	vor.u32 v3, v4  }
0xcd: {  	v4 =	vperm.xlane v3, v0;
	_ =	sdelay $0x1  }
0xce: {  	v4 =	vadd.s32 v1, v4;
	_ =	sdelay $0x3  }
0xcf: {  	s14 =	simm.s32 $0x3200;
	v3 =	vperm.xlane v3, v2  }
0xd0: {  	[tilespmem:s14], [sflag:$0x1] =	stream.indirect_vreg.gather [hbm4b:s1+s3], $0x80, v4, vm0, $0xb8;
	[tilespmem:$0x18200] =	vst v63  }
0xd1: {  	s21 =	simm.s32 $0x3A00;
	v3 =	vadd.s32 v1, v3  }
0xd2: {  	[tilespmem:s21], [sflag:$0x1] =	stream.indirect_vreg.gather [hbm4b:s5+s3], $0x80, v4, vm0, $0xb8;
	[tilespmem:$0x18200] =	vst v63  }
0xd3: {  	s22 =	simm.s32 $0x4200  }
0xd4: {  	[tilespmem:s22], [sflag:$0x1] =	stream.indirect_vreg.gather [hbm4b:s6+s3], $0x80, v4, vm0, $0xb8;
	[tilespmem:$0x18200] =	vst v63  }
0xd5: {  	s23 =	simm.s32 $0x4A00  }
0xd6: {  	[tilespmem:s23], [sflag:$0x1] =	stream.indirect_vreg.gather [hbm4b:s1+s3], $0x80, v3, vm0, $0xb8;
	[tilespmem:$0x18200] =	vst v63  }
0xd7: {  	s24 =	simm.s32 $0x5200  }
0xd8: {  	[tilespmem:s24], [sflag:$0x1] =	stream.indirect_vreg.gather [hbm4b:s5+s3], $0x80, v3, vm0, $0xb8;
	[tilespmem:$0x18200] =	vst v63  }
0xd9: {  	s25 =	simm.s32 $0x5A00  }
0xda: {  	[tilespmem:s25], [sflag:$0x1] =	stream.indirect_vreg.gather [hbm4b:s6+s3], $0x80, v3, vm0, $0xb8;
	[tilespmem:$0x18200] =	vst v63  }
0xdb: {  	v3 =	vld [tilespmem:$0xA0];
	_ =	sdelay $0x4  }
0xdc: {  	v42 =	vshrl.u32 v3, $0x3  }
0xdd: {  	v4 =	vmul.u32 $0x30, v42  }
0xde: {  	v3 =	vand.u32 $0x7, v3  }
0xdf: {  	v3 =	vor.u32 v3, v4  }
0xe0: {  	v4 =	vperm.xlane v3, v0;
	_ =	sdelay $0x1  }
0xe1: {  	v4 =	vadd.s32 v1, v4;
	_ =	sdelay $0x3  }
0xe2: {  	s26 =	simm.s32 $0x6200;
	v3 =	vperm.xlane v3, v2  }
0xe3: {  	[tilespmem:s26], [sflag:$0x1] =	stream.indirect_vreg.gather [hbm4b:s1+s3], $0x80, v4, vm0, $0xb8;
	[tilespmem:$0x18200] =	vst v63  }
0xe4: {  	s25 =	simm.s32 $0x6A00;
	v3 =	vadd.s32 v1, v3  }
0xe5: {  	[tilespmem:s25], [sflag:$0x1] =	stream.indirect_vreg.gather [hbm4b:s5+s3], $0x80, v4, vm0, $0xb8;
	[tilespmem:$0x18200] =	vst v63  }
0xe6: {  	s26 =	simm.s32 $0x7200  }
0xe7: {  	[tilespmem:s26], [sflag:$0x1] =	stream.indirect_vreg.gather [hbm4b:s6+s3], $0x80, v4, vm0, $0xb8;
	[tilespmem:$0x18200] =	vst v63  }
0xe8: {  	s28 =	simm.s32 $0x7A00  }
0xe9: {  	[tilespmem:s28], [sflag:$0x1] =	stream.indirect_vreg.gather [hbm4b:s1+s3], $0x80, v3, vm0, $0xb8;
	[tilespmem:$0x18200] =	vst v63  }
0xea: {  	s29 =	simm.s32 $0x8200  }
0xeb: {  	[tilespmem:s29], [sflag:$0x1] =	stream.indirect_vreg.gather [hbm4b:s5+s3], $0x80, v3, vm0, $0xb8;
	[tilespmem:$0x18200] =	vst v63  }
0xec: {  	s30 =	simm.s32 $0x8A00  }
0xed: {  	[tilespmem:s30], [sflag:$0x1] =	stream.indirect_vreg.gather [hbm4b:s6+s3], $0x80, v3, vm0, $0xb8;
	[tilespmem:$0x18200] =	vst v63  }
0xee: {  	v3 =	vld [tilespmem:$0xB0];
	_ =	sdelay $0x4  }
0xef: {  	v43 =	vshrl.u32 v3, $0x3  }
0xf0: {  	v4 =	vmul.u32 $0x30, v43  }
0xf1: {  	v3 =	vand.u32 $0x7, v3  }
0xf2: {  	v3 =	vor.u32 v3, v4  }
0xf3: {  	v4 =	vperm.xlane v3, v0;
	_ =	sdelay $0x1  }
0xf4: {  	v4 =	vadd.s32 v1, v4;
	_ =	sdelay $0x3  }
0xf5: {  	s31 =	simm.s32 $0x9200;
	v3 =	vperm.xlane v3, v2  }
0xf6: {  	[tilespmem:s31], [sflag:$0x1] =	stream.indirect_vreg.gather [hbm4b:s1+s3], $0x80, v4, vm0, $0xb8;
	[tilespmem:$0x18200] =	vst v63  }
0xf7: {  	s30 =	simm.s32 $0x9A00;
	v3 =	vadd.s32 v1, v3  }
0xf8: {  	[tilespmem:s30], [sflag:$0x1] =	stream.indirect_vreg.gather [hbm4b:s5+s3], $0x80, v4, vm0, $0xb8;
	[tilespmem:$0x18200] =	vst v63  }
0xf9: {  	s31 =	simm.s32 $0xA200  }
0xfa: {  	[tilespmem:s31], [sflag:$0x1] =	stream.indirect_vreg.gather [hbm4b:s6+s3], $0x80, v4, vm0, $0xb8;
	[tilespmem:$0x18200] =	vst v63  }
0xfb: {  	s13 =	simm.s32 $0xAA00  }
0xfc: {  	[tilespmem:s13], [sflag:$0x1] =	stream.indirect_vreg.gather [hbm4b:s1+s3], $0x80, v3, vm0, $0xb8;
	[tilespmem:$0x18200] =	vst v63  }
0xfd: {  	s14 =	simm.s32 $0xB200  }
0xfe: {  	[tilespmem:s14], [sflag:$0x1] =	stream.indirect_vreg.gather [hbm4b:s5+s3], $0x80, v3, vm0, $0xb8;
	[tilespmem:$0x18200] =	vst v63  }
0xff: {  	s15 =	simm.s32 $0xBA00  }
0x100: {  	[tilespmem:s15], [sflag:$0x1] =	stream.indirect_vreg.gather [hbm4b:s6+s3], $0x80, v3, vm0, $0xb8;
	[tilespmem:$0x18200] =	vst v63  }
0x101: {  	_ =	swait.ge [sflag:s11], $0xC000  }
0x102: {  	[sflag:s11] =	ssyncset.done $0x0  }
0x103: {  	s15 =	rddreg [dreg:$0x5];
	[sflag:s11] =	ssyncadd.s32 $0xFFFF4000  }
0x104: {  	[hbm4b:s15+s3] =	stream.linear.scatter [tilespmem:s4], [sflag:$0x3], $0xC000, $0x38;
	[tilespmem:$0x18200] =	vst v63  }
0x105: {  	_ =	swait.ge [sflag:s8], $0xC000  }
0x106: {  	[sflag:s8] =	ssyncset.done $0x0  }
0x107: {  	[sflag:s8] =	ssyncadd.s32 $0xFFFF4000  }
0x108: {  	v3 =	vld [tilespmem:$0xC0];
	_ =	sdelay $0x4  }
0x109: {  	v44 =	vshrl.u32 v3, $0x3  }
0x10a: {  	v4 =	vmul.u32 $0x30, v44  }
0x10b: {  	v3 =	vand.u32 $0x7, v3  }
0x10c: {  	v3 =	vor.u32 v3, v4  }
0x10d: {  	v4 =	vperm.xlane v3, v0;
	_ =	sdelay $0x1  }
0x10e: {  	v4 =	vadd.s32 v1, v4;
	_ =	sdelay $0x3  }
0x10f: {  	v3 =	vperm.xlane v3, v2  }
0x110: {  	[tilespmem:s4], [sflag:$0x2] =	stream.indirect_vreg.gather [hbm4b:s1+s3], $0x80, v4, vm0, $0xb8;
	[tilespmem:$0x18200] =	vst v63  }
0x111: {  	s15 =	simm.s32 $0xCA00;
	v3 =	vadd.s32 v1, v3  }
0x112: {  	[tilespmem:s15], [sflag:$0x2] =	stream.indirect_vreg.gather [hbm4b:s5+s3], $0x80, v4, vm0, $0xb8;
	[tilespmem:$0x18200] =	vst v63  }
0x113: {  	s12 =	simm.s32 $0xD200  }
0x114: {  	[tilespmem:s12], [sflag:$0x2] =	stream.indirect_vreg.gather [hbm4b:s6+s3], $0x80, v4, vm0, $0xb8;
	[tilespmem:$0x18200] =	vst v63  }
0x115: {  	s12 =	simm.s32 $0xDA00  }
0x116: {  	[tilespmem:s12], [sflag:$0x2] =	stream.indirect_vreg.gather [hbm4b:s1+s3], $0x80, v3, vm0, $0xb8;
	[tilespmem:$0x18200] =	vst v63  }
0x117: {  	s12 =	simm.s32 $0xE200  }
0x118: {  	[tilespmem:s12], [sflag:$0x2] =	stream.indirect_vreg.gather [hbm4b:s5+s3], $0x80, v3, vm0, $0xb8;
	[tilespmem:$0x18200] =	vst v63  }
0x119: {  	s18 =	simm.s32 $0xEA00  }
0x11a: {  	[tilespmem:s18], [sflag:$0x2] =	stream.indirect_vreg.gather [hbm4b:s6+s3], $0x80, v3, vm0, $0xb8;
	[tilespmem:$0x18200] =	vst v63  }
0x11b: {  	v3 =	vld [tilespmem:$0xD0];
	_ =	sdelay $0x4  }
0x11c: {  	v45 =	vshrl.u32 v3, $0x3  }
0x11d: {  	v4 =	vmul.u32 $0x30, v45  }
0x11e: {  	v3 =	vand.u32 $0x7, v3  }
0x11f: {  	v3 =	vor.u32 v3, v4  }
0x120: {  	v4 =	vperm.xlane v3, v0;
	_ =	sdelay $0x1  }
0x121: {  	v4 =	vadd.s32 v1, v4;
	_ =	sdelay $0x3  }
0x122: {  	s19 =	simm.s32 $0xF200;
	v3 =	vperm.xlane v3, v2  }
0x123: {  	[tilespmem:s19], [sflag:$0x2] =	stream.indirect_vreg.gather [hbm4b:s1+s3], $0x80, v4, vm0, $0xb8;
	[tilespmem:$0x18200] =	vst v63  }
0x124: {  	v3 =	vadd.s32 v1, v3;
	s19 =	simm.s32 $0xFA00  }
0x125: {  	[tilespmem:s19], [sflag:$0x2] =	stream.indirect_vreg.gather [hbm4b:s5+s3], $0x80, v4, vm0, $0xb8;
	[tilespmem:$0x18200] =	vst v63  }
0x126: {  	s18 =	simm.s32 $0x10200  }
0x127: {  	[tilespmem:s18], [sflag:$0x2] =	stream.indirect_vreg.gather [hbm4b:s6+s3], $0x80, v4, vm0, $0xb8;
	[tilespmem:$0x18200] =	vst v63  }
0x128: {  	s19 =	simm.s32 $0x10A00  }
0x129: {  	[tilespmem:s19], [sflag:$0x2] =	stream.indirect_vreg.gather [hbm4b:s1+s3], $0x80, v3, vm0, $0xb8;
	[tilespmem:$0x18200] =	vst v63  }
0x12a: {  	s18 =	simm.s32 $0x11200  }
0x12b: {  	[tilespmem:s18], [sflag:$0x2] =	stream.indirect_vreg.gather [hbm4b:s5+s3], $0x80, v3, vm0, $0xb8;
	[tilespmem:$0x18200] =	vst v63  }
0x12c: {  	s19 =	simm.s32 $0x11A00  }
0x12d: {  	[tilespmem:s19], [sflag:$0x2] =	stream.indirect_vreg.gather [hbm4b:s6+s3], $0x80, v3, vm0, $0xb8;
	[tilespmem:$0x18200] =	vst v63  }
0x12e: {  	v3 =	vld [tilespmem:$0xE0];
	_ =	sdelay $0x4  }
0x12f: {  	v46 =	vshrl.u32 v3, $0x3  }
0x130: {  	v4 =	vmul.u32 $0x30, v46  }
0x131: {  	v3 =	vand.u32 $0x7, v3  }
0x132: {  	v3 =	vor.u32 v3, v4  }
0x133: {  	v4 =	vperm.xlane v3, v0;
	_ =	sdelay $0x1  }
0x134: {  	v4 =	vadd.s32 v1, v4;
	_ =	sdelay $0x3  }
0x135: {  	s18 =	simm.s32 $0x12200;
	v3 =	vperm.xlane v3, v2  }
0x136: {  	[tilespmem:s18], [sflag:$0x2] =	stream.indirect_vreg.gather [hbm4b:s1+s3], $0x80, v4, vm0, $0xb8;
	[tilespmem:$0x18200] =	vst v63  }
0x137: {  	s19 =	simm.s32 $0x12A00;
	v3 =	vadd.s32 v1, v3  }
0x138: {  	[tilespmem:s19], [sflag:$0x2] =	stream.indirect_vreg.gather [hbm4b:s5+s3], $0x80, v4, vm0, $0xb8;
	[tilespmem:$0x18200] =	vst v63  }
0x139: {  	s18 =	simm.s32 $0x13200  }
0x13a: {  	[tilespmem:s18], [sflag:$0x2] =	stream.indirect_vreg.gather [hbm4b:s6+s3], $0x80, v4, vm0, $0xb8;
	[tilespmem:$0x18200] =	vst v63  }
0x13b: {  	s19 =	simm.s32 $0x13A00  }
0x13c: {  	[tilespmem:s19], [sflag:$0x2] =	stream.indirect_vreg.gather [hbm4b:s1+s3], $0x80, v3, vm0, $0xb8;
	[tilespmem:$0x18200] =	vst v63  }
0x13d: {  	s18 =	simm.s32 $0x14200  }
0x13e: {  	[tilespmem:s18], [sflag:$0x2] =	stream.indirect_vreg.gather [hbm4b:s5+s3], $0x80, v3, vm0, $0xb8;
	[tilespmem:$0x18200] =	vst v63  }
0x13f: {  	s19 =	simm.s32 $0x14A00  }
0x140: {  	[tilespmem:s19], [sflag:$0x2] =	stream.indirect_vreg.gather [hbm4b:s6+s3], $0x80, v3, vm0, $0xb8;
	[tilespmem:$0x18200] =	vst v63  }
0x141: {  	v3 =	vld [tilespmem:$0xF0];
	_ =	sdelay $0x4  }
0x142: {  	v47 =	vshrl.u32 v3, $0x3  }
0x143: {  	v4 =	vmul.u32 $0x30, v47  }
0x144: {  	v3 =	vand.u32 $0x7, v3  }
0x145: {  	v3 =	vor.u32 v3, v4  }
0x146: {  	v4 =	vperm.xlane v3, v0;
	_ =	sdelay $0x1  }
0x147: {  	v4 =	vadd.s32 v1, v4;
	_ =	sdelay $0x3  }
0x148: {  	s18 =	simm.s32 $0x15200;
	v3 =	vperm.xlane v3, v2  }
0x149: {  	[tilespmem:s18], [sflag:$0x2] =	stream.indirect_vreg.gather [hbm4b:s1+s3], $0x80, v4, vm0, $0xb8;
	[tilespmem:$0x18200] =	vst v63  }
0x14a: {  	s19 =	simm.s32 $0x15A00;
	v3 =	vadd.s32 v1, v3  }
0x14b: {  	[tilespmem:s19], [sflag:$0x2] =	stream.indirect_vreg.gather [hbm4b:s5+s3], $0x80, v4, vm0, $0xb8;
	[tilespmem:$0x18200] =	vst v63  }
0x14c: {  	s18 =	simm.s32 $0x16200  }
0x14d: {  	[tilespmem:s18], [sflag:$0x2] =	stream.indirect_vreg.gather [hbm4b:s6+s3], $0x80, v4, vm0, $0xb8;
	[tilespmem:$0x18200] =	vst v63  }
0x14e: {  	s19 =	simm.s32 $0x16A00  }
0x14f: {  	[tilespmem:s19], [sflag:$0x2] =	stream.indirect_vreg.gather [hbm4b:s1+s3], $0x80, v3, vm0, $0xb8;
	[tilespmem:$0x18200] =	vst v63  }
0x150: {  	s18 =	simm.s32 $0x17200  }
0x151: {  	[tilespmem:s18], [sflag:$0x2] =	stream.indirect_vreg.gather [hbm4b:s5+s3], $0x80, v3, vm0, $0xb8;
	[tilespmem:$0x18200] =	vst v63  }
0x152: {  	s17 =	simm.s32 $0x17A00  }
0x153: {  	[tilespmem:s17], [sflag:$0x2] =	stream.indirect_vreg.gather [hbm4b:s6+s3], $0x80, v3, vm0, $0xb8;
	[tilespmem:$0x18200] =	vst v63  }
0x154: {  	_ =	swait.ge [sflag:s10], $0xC000  }
0x155: {  	[sflag:s10] =	ssyncset.done $0x0  }
0x156: {  	s19 =	rddreg [dreg:$0x6];
	[sflag:s10] =	ssyncadd.s32 $0xFFFF4000  }
0x157: {  	[hbm4b:s19+s3] =	stream.linear.scatter [tilespmem:s16], [sflag:$0x3], $0xC000, $0x38;
	[tilespmem:$0x18200] =	vst v63  }
0x158: {  	_ =	swait.ge [sflag:s8], $0xC000  }
0x159: {  	[sflag:s8] =	ssyncset.done $0x0  }
0x15a: {  	[sflag:s8] =	ssyncadd.s32 $0xFFFF4000  }
0x15b: {  	v3 =	vld [tilespmem:$0x100];
	_ =	sdelay $0x4  }
0x15c: {  	v48 =	vshrl.u32 v3, $0x3  }
0x15d: {  	v4 =	vmul.u32 $0x30, v48  }
0x15e: {  	v3 =	vand.u32 $0x7, v3  }
0x15f: {  	v3 =	vor.u32 v3, v4  }
0x160: {  	v4 =	vperm.xlane v3, v0;
	_ =	sdelay $0x1  }
0x161: {  	v4 =	vadd.s32 v1, v4;
	_ =	sdelay $0x3  }
0x162: {  	v3 =	vperm.xlane v3, v2  }
0x163: {  	[tilespmem:s16], [sflag:$0x1] =	stream.indirect_vreg.gather [hbm4b:s1+s3], $0x80, v4, vm0, $0xb8;
	[tilespmem:$0x18200] =	vst v63  }
0x164: {  	v3 =	vadd.s32 v1, v3  }
0x165: {  	[tilespmem:s0], [sflag:$0x1] =	stream.indirect_vreg.gather [hbm4b:s5+s3], $0x80, v4, vm0, $0xb8;
	[tilespmem:$0x18200] =	vst v63  }
0x166: {  	_ = 	snop  }
0x167: {  	[tilespmem:s2], [sflag:$0x1] =	stream.indirect_vreg.gather [hbm4b:s6+s3], $0x80, v4, vm0, $0xb8;
	[tilespmem:$0x18200] =	vst v63  }
0x168: {  	_ = 	snop  }
0x169: {  	[tilespmem:s9], [sflag:$0x1] =	stream.indirect_vreg.gather [hbm4b:s1+s3], $0x80, v3, vm0, $0xb8;
	[tilespmem:$0x18200] =	vst v63  }
0x16a: {  	_ = 	snop  }
0x16b: {  	[tilespmem:s20], [sflag:$0x1] =	stream.indirect_vreg.gather [hbm4b:s5+s3], $0x80, v3, vm0, $0xb8;
	[tilespmem:$0x18200] =	vst v63  }
0x16c: {  	s20 =	simm.s32 $0x2A00  }
0x16d: {  	[tilespmem:s20], [sflag:$0x1] =	stream.indirect_vreg.gather [hbm4b:s6+s3], $0x80, v3, vm0, $0xb8;
	[tilespmem:$0x18200] =	vst v63  }
0x16e: {  	v3 =	vld [tilespmem:$0x110];
	_ =	sdelay $0x4  }
0x16f: {  	v49 =	vshrl.u32 v3, $0x3  }
0x170: {  	v4 =	vmul.u32 $0x30, v49  }
0x171: {  	v3 =	vand.u32 $0x7, v3  }
0x172: {  	v3 =	vor.u32 v3, v4  }
0x173: {  	v4 =	vperm.xlane v3, v0;
	_ =	sdelay $0x1  }
0x174: {  	v4 =	vadd.s32 v1, v4;
	_ =	sdelay $0x3  }
0x175: {  	s18 =	simm.s32 $0x3200;
	v3 =	vperm.xlane v3, v2  }
0x176: {  	[tilespmem:s18], [sflag:$0x1] =	stream.indirect_vreg.gather [hbm4b:s1+s3], $0x80, v4, vm0, $0xb8;
	[tilespmem:$0x18200] =	vst v63  }
0x177: {  	v3 =	vadd.s32 v1, v3  }
0x178: {  	[tilespmem:s21], [sflag:$0x1] =	stream.indirect_vreg.gather [hbm4b:s5+s3], $0x80, v4, vm0, $0xb8;
	[tilespmem:$0x18200] =	vst v63  }
0x179: {  	_ = 	snop  }
0x17a: {  	[tilespmem:s22], [sflag:$0x1] =	stream.indirect_vreg.gather [hbm4b:s6+s3], $0x80, v4, vm0, $0xb8;
	[tilespmem:$0x18200] =	vst v63  }
0x17b: {  	_ = 	snop  }
0x17c: {  	[tilespmem:s23], [sflag:$0x1] =	stream.indirect_vreg.gather [hbm4b:s1+s3], $0x80, v3, vm0, $0xb8;
	[tilespmem:$0x18200] =	vst v63  }
0x17d: {  	_ = 	snop  }
0x17e: {  	[tilespmem:s24], [sflag:$0x1] =	stream.indirect_vreg.gather [hbm4b:s5+s3], $0x80, v3, vm0, $0xb8;
	[tilespmem:$0x18200] =	vst v63  }
0x17f: {  	s19 =	simm.s32 $0x5A00  }
0x180: {  	[tilespmem:s19], [sflag:$0x1] =	stream.indirect_vreg.gather [hbm4b:s6+s3], $0x80, v3, vm0, $0xb8;
	[tilespmem:$0x18200] =	vst v63  }
0x181: {  	v3 =	vld [tilespmem:$0x120];
	_ =	sdelay $0x4  }
0x182: {  	v50 =	vshrl.u32 v3, $0x3  }
0x183: {  	v4 =	vmul.u32 $0x30, v50  }
0x184: {  	v3 =	vand.u32 $0x7, v3  }
0x185: {  	v3 =	vor.u32 v3, v4  }
0x186: {  	v4 =	vperm.xlane v3, v0;
	_ =	sdelay $0x1  }
0x187: {  	v4 =	vadd.s32 v1, v4;
	_ =	sdelay $0x3  }
0x188: {  	s24 =	simm.s32 $0x6200;
	v3 =	vperm.xlane v3, v2  }
0x189: {  	[tilespmem:s24], [sflag:$0x1] =	stream.indirect_vreg.gather [hbm4b:s1+s3], $0x80, v4, vm0, $0xb8;
	[tilespmem:$0x18200] =	vst v63  }
0x18a: {  	v3 =	vadd.s32 v1, v3  }
0x18b: {  	[tilespmem:s25], [sflag:$0x1] =	stream.indirect_vreg.gather [hbm4b:s5+s3], $0x80, v4, vm0, $0xb8;
	[tilespmem:$0x18200] =	vst v63  }
0x18c: {  	_ = 	snop  }
0x18d: {  	[tilespmem:s26], [sflag:$0x1] =	stream.indirect_vreg.gather [hbm4b:s6+s3], $0x80, v4, vm0, $0xb8;
	[tilespmem:$0x18200] =	vst v63  }
0x18e: {  	_ = 	snop  }
0x18f: {  	[tilespmem:s28], [sflag:$0x1] =	stream.indirect_vreg.gather [hbm4b:s1+s3], $0x80, v3, vm0, $0xb8;
	[tilespmem:$0x18200] =	vst v63  }
0x190: {  	_ = 	snop  }
0x191: {  	[tilespmem:s29], [sflag:$0x1] =	stream.indirect_vreg.gather [hbm4b:s5+s3], $0x80, v3, vm0, $0xb8;
	[tilespmem:$0x18200] =	vst v63  }
0x192: {  	s29 =	simm.s32 $0x8A00  }
0x193: {  	[tilespmem:s29], [sflag:$0x1] =	stream.indirect_vreg.gather [hbm4b:s6+s3], $0x80, v3, vm0, $0xb8;
	[tilespmem:$0x18200] =	vst v63  }
0x194: {  	v3 =	vld [tilespmem:$0x130];
	_ =	sdelay $0x4  }
0x195: {  	v51 =	vshrl.u32 v3, $0x3  }
0x196: {  	v4 =	vmul.u32 $0x30, v51  }
0x197: {  	v3 =	vand.u32 $0x7, v3  }
0x198: {  	v3 =	vor.u32 v3, v4  }
0x199: {  	v4 =	vperm.xlane v3, v0;
	_ =	sdelay $0x1  }
0x19a: {  	v4 =	vadd.s32 v1, v4;
	_ =	sdelay $0x3  }
0x19b: {  	s18 =	simm.s32 $0x9200;
	v3 =	vperm.xlane v3, v2  }
0x19c: {  	[tilespmem:s18], [sflag:$0x1] =	stream.indirect_vreg.gather [hbm4b:s1+s3], $0x80, v4, vm0, $0xb8;
	[tilespmem:$0x18200] =	vst v63  }
0x19d: {  	v3 =	vadd.s32 v1, v3  }
0x19e: {  	[tilespmem:s30], [sflag:$0x1] =	stream.indirect_vreg.gather [hbm4b:s5+s3], $0x80, v4, vm0, $0xb8;
	[tilespmem:$0x18200] =	vst v63  }
0x19f: {  	_ = 	snop  }
0x1a0: {  	[tilespmem:s31], [sflag:$0x1] =	stream.indirect_vreg.gather [hbm4b:s6+s3], $0x80, v4, vm0, $0xb8;
	[tilespmem:$0x18200] =	vst v63  }
0x1a1: {  	_ = 	snop  }
0x1a2: {  	[tilespmem:s13], [sflag:$0x1] =	stream.indirect_vreg.gather [hbm4b:s1+s3], $0x80, v3, vm0, $0xb8;
	[tilespmem:$0x18200] =	vst v63  }
0x1a3: {  	_ = 	snop  }
0x1a4: {  	[tilespmem:s14], [sflag:$0x1] =	stream.indirect_vreg.gather [hbm4b:s5+s3], $0x80, v3, vm0, $0xb8;
	[tilespmem:$0x18200] =	vst v63  }
0x1a5: {  	s19 =	simm.s32 $0xBA00  }
0x1a6: {  	[tilespmem:s19], [sflag:$0x1] =	stream.indirect_vreg.gather [hbm4b:s6+s3], $0x80, v3, vm0, $0xb8;
	[tilespmem:$0x18200] =	vst v63  }
0x1a7: {  	_ =	swait.ge [sflag:s11], $0xC000  }
0x1a8: {  	[sflag:s11] =	ssyncset.done $0x0  }
0x1a9: {  	s31 =	rddreg [dreg:$0x7];
	[sflag:s11] =	ssyncadd.s32 $0xFFFF4000  }
0x1aa: {  	[hbm4b:s31+s3] =	stream.linear.scatter [tilespmem:s4], [sflag:$0x3], $0xC000, $0x38;
	[tilespmem:$0x18200] =	vst v63  }
0x1ab: {  	_ =	swait.ge [sflag:s8], $0xC000  }
0x1ac: {  	[sflag:s8] =	ssyncset.done $0x0  }
0x1ad: {  	[sflag:s8] =	ssyncadd.s32 $0xFFFF4000  }
0x1ae: {  	v3 =	vld [tilespmem:$0x140];
	_ =	sdelay $0x4  }
0x1af: {  	v52 =	vshrl.u32 v3, $0x3  }
0x1b0: {  	v4 =	vmul.u32 $0x30, v52  }
0x1b1: {  	v3 =	vand.u32 $0x7, v3  }
0x1b2: {  	v3 =	vor.u32 v3, v4  }
0x1b3: {  	v4 =	vperm.xlane v3, v0;
	_ =	sdelay $0x1  }
0x1b4: {  	v4 =	vadd.s32 v1, v4;
	_ =	sdelay $0x3  }
0x1b5: {  	v3 =	vperm.xlane v3, v2  }
0x1b6: {  	[tilespmem:s4], [sflag:$0x2] =	stream.indirect_vreg.gather [hbm4b:s1+s3], $0x80, v4, vm0, $0xb8;
	[tilespmem:$0x18200] =	vst v63  }
0x1b7: {  	s15 =	simm.s32 $0xCA00;
	v3 =	vadd.s32 v1, v3  }
0x1b8: {  	[tilespmem:s15], [sflag:$0x2] =	stream.indirect_vreg.gather [hbm4b:s5+s3], $0x80, v4, vm0, $0xb8;
	[tilespmem:$0x18200] =	vst v63  }
0x1b9: {  	s15 =	simm.s32 $0xD200  }
0x1ba: {  	[tilespmem:s15], [sflag:$0x2] =	stream.indirect_vreg.gather [hbm4b:s6+s3], $0x80, v4, vm0, $0xb8;
	[tilespmem:$0x18200] =	vst v63  }
0x1bb: {  	s18 =	simm.s32 $0xDA00  }
0x1bc: {  	[tilespmem:s18], [sflag:$0x2] =	stream.indirect_vreg.gather [hbm4b:s1+s3], $0x80, v3, vm0, $0xb8;
	[tilespmem:$0x18200] =	vst v63  }
0x1bd: {  	s19 =	simm.s32 $0xE200  }
0x1be: {  	[tilespmem:s19], [sflag:$0x2] =	stream.indirect_vreg.gather [hbm4b:s5+s3], $0x80, v3, vm0, $0xb8;
	[tilespmem:$0x18200] =	vst v63  }
0x1bf: {  	s12 =	simm.s32 $0xEA00  }
0x1c0: {  	[tilespmem:s12], [sflag:$0x2] =	stream.indirect_vreg.gather [hbm4b:s6+s3], $0x80, v3, vm0, $0xb8;
	[tilespmem:$0x18200] =	vst v63  }
0x1c1: {  	v3 =	vld [tilespmem:$0x150];
	_ =	sdelay $0x4  }
0x1c2: {  	v53 =	vshrl.u32 v3, $0x3  }
0x1c3: {  	v4 =	vmul.u32 $0x30, v53  }
0x1c4: {  	v3 =	vand.u32 $0x7, v3  }
0x1c5: {  	v3 =	vor.u32 v3, v4  }
0x1c6: {  	v4 =	vperm.xlane v3, v0;
	_ =	sdelay $0x1  }
0x1c7: {  	v4 =	vadd.s32 v1, v4;
	_ =	sdelay $0x3  }
0x1c8: {  	s12 =	simm.s32 $0xF200;
	v3 =	vperm.xlane v3, v2  }
0x1c9: {  	[tilespmem:s12], [sflag:$0x2] =	stream.indirect_vreg.gather [hbm4b:s1+s3], $0x80, v4, vm0, $0xb8;
	[tilespmem:$0x18200] =	vst v63  }
0x1ca: {  	v3 =	vadd.s32 v1, v3;
	s12 =	simm.s32 $0xFA00  }
0x1cb: {  	[tilespmem:s12], [sflag:$0x2] =	stream.indirect_vreg.gather [hbm4b:s5+s3], $0x80, v4, vm0, $0xb8;
	[tilespmem:$0x18200] =	vst v63  }
0x1cc: {  	s12 =	simm.s32 $0x10200  }
0x1cd: {  	[tilespmem:s12], [sflag:$0x2] =	stream.indirect_vreg.gather [hbm4b:s6+s3], $0x80, v4, vm0, $0xb8;
	[tilespmem:$0x18200] =	vst v63  }
0x1ce: {  	s12 =	simm.s32 $0x10A00  }
0x1cf: {  	[tilespmem:s12], [sflag:$0x2] =	stream.indirect_vreg.gather [hbm4b:s1+s3], $0x80, v3, vm0, $0xb8;
	[tilespmem:$0x18200] =	vst v63  }
0x1d0: {  	s12 =	simm.s32 $0x11200  }
0x1d1: {  	[tilespmem:s12], [sflag:$0x2] =	stream.indirect_vreg.gather [hbm4b:s5+s3], $0x80, v3, vm0, $0xb8;
	[tilespmem:$0x18200] =	vst v63  }
0x1d2: {  	s12 =	simm.s32 $0x11A00  }
0x1d3: {  	[tilespmem:s12], [sflag:$0x2] =	stream.indirect_vreg.gather [hbm4b:s6+s3], $0x80, v3, vm0, $0xb8;
	[tilespmem:$0x18200] =	vst v63  }
0x1d4: {  	v3 =	vld [tilespmem:$0x160];
	_ =	sdelay $0x4  }
0x1d5: {  	v54 =	vshrl.u32 v3, $0x3  }
0x1d6: {  	v4 =	vmul.u32 $0x30, v54  }
0x1d7: {  	v3 =	vand.u32 $0x7, v3  }
0x1d8: {  	v3 =	vor.u32 v3, v4  }
0x1d9: {  	v4 =	vperm.xlane v3, v0;
	_ =	sdelay $0x1  }
0x1da: {  	v4 =	vadd.s32 v1, v4;
	_ =	sdelay $0x3  }
0x1db: {  	s12 =	simm.s32 $0x12200;
	v3 =	vperm.xlane v3, v2  }
0x1dc: {  	[tilespmem:s12], [sflag:$0x2] =	stream.indirect_vreg.gather [hbm4b:s1+s3], $0x80, v4, vm0, $0xb8;
	[tilespmem:$0x18200] =	vst v63  }
0x1dd: {  	v3 =	vadd.s32 v1, v3;
	s12 =	simm.s32 $0x12A00  }
0x1de: {  	[tilespmem:s12], [sflag:$0x2] =	stream.indirect_vreg.gather [hbm4b:s5+s3], $0x80, v4, vm0, $0xb8;
	[tilespmem:$0x18200] =	vst v63  }
0x1df: {  	s12 =	simm.s32 $0x13200  }
0x1e0: {  	[tilespmem:s12], [sflag:$0x2] =	stream.indirect_vreg.gather [hbm4b:s6+s3], $0x80, v4, vm0, $0xb8;
	[tilespmem:$0x18200] =	vst v63  }
0x1e1: {  	s12 =	simm.s32 $0x13A00  }
0x1e2: {  	[tilespmem:s12], [sflag:$0x2] =	stream.indirect_vreg.gather [hbm4b:s1+s3], $0x80, v3, vm0, $0xb8;
	[tilespmem:$0x18200] =	vst v63  }
0x1e3: {  	s12 =	simm.s32 $0x14200  }
0x1e4: {  	[tilespmem:s12], [sflag:$0x2] =	stream.indirect_vreg.gather [hbm4b:s5+s3], $0x80, v3, vm0, $0xb8;
	[tilespmem:$0x18200] =	vst v63  }
0x1e5: {  	s12 =	simm.s32 $0x14A00  }
0x1e6: {  	[tilespmem:s12], [sflag:$0x2] =	stream.indirect_vreg.gather [hbm4b:s6+s3], $0x80, v3, vm0, $0xb8;
	[tilespmem:$0x18200] =	vst v63  }
0x1e7: {  	v3 =	vld [tilespmem:$0x170];
	_ =	sdelay $0x4  }
0x1e8: {  	v55 =	vshrl.u32 v3, $0x3  }
0x1e9: {  	v4 =	vmul.u32 $0x30, v55  }
0x1ea: {  	v3 =	vand.u32 $0x7, v3  }
0x1eb: {  	v3 =	vor.u32 v3, v4  }
0x1ec: {  	v4 =	vperm.xlane v3, v0;
	_ =	sdelay $0x1  }
0x1ed: {  	v4 =	vadd.s32 v1, v4;
	_ =	sdelay $0x3  }
0x1ee: {  	s12 =	simm.s32 $0x15200;
	v3 =	vperm.xlane v3, v2  }
0x1ef: {  	[tilespmem:s12], [sflag:$0x2] =	stream.indirect_vreg.gather [hbm4b:s1+s3], $0x80, v4, vm0, $0xb8;
	[tilespmem:$0x18200] =	vst v63  }
0x1f0: {  	v3 =	vadd.s32 v1, v3;
	s12 =	simm.s32 $0x15A00  }
0x1f1: {  	[tilespmem:s12], [sflag:$0x2] =	stream.indirect_vreg.gather [hbm4b:s5+s3], $0x80, v4, vm0, $0xb8;
	[tilespmem:$0x18200] =	vst v63  }
0x1f2: {  	s12 =	simm.s32 $0x16200  }
0x1f3: {  	[tilespmem:s12], [sflag:$0x2] =	stream.indirect_vreg.gather [hbm4b:s6+s3], $0x80, v4, vm0, $0xb8;
	[tilespmem:$0x18200] =	vst v63  }
0x1f4: {  	s12 =	simm.s32 $0x16A00  }
0x1f5: {  	[tilespmem:s12], [sflag:$0x2] =	stream.indirect_vreg.gather [hbm4b:s1+s3], $0x80, v3, vm0, $0xb8;
	[tilespmem:$0x18200] =	vst v63  }
0x1f6: {  	s12 =	simm.s32 $0x17200  }
0x1f7: {  	[tilespmem:s12], [sflag:$0x2] =	stream.indirect_vreg.gather [hbm4b:s5+s3], $0x80, v3, vm0, $0xb8;
	[tilespmem:$0x18200] =	vst v63  }
0x1f8: {  	s12 =	simm.s32 $0x17A00  }
0x1f9: {  	[tilespmem:s12], [sflag:$0x2] =	stream.indirect_vreg.gather [hbm4b:s6+s3], $0x80, v3, vm0, $0xb8;
	[tilespmem:$0x18200] =	vst v63  }
0x1fa: {  	_ =	swait.ge [sflag:s10], $0xC000  }
0x1fb: {  	[sflag:s10] =	ssyncset.done $0x0  }
0x1fc: {  	s12 =	rddreg [dreg:$0x8];
	[sflag:s10] =	ssyncadd.s32 $0xFFFF4000  }
0x1fd: {  	[hbm4b:s12+s3] =	stream.linear.scatter [tilespmem:s16], [sflag:$0x3], $0xC000, $0x38;
	[tilespmem:$0x18200] =	vst v63  }
0x1fe: {  	_ =	swait.ge [sflag:s8], $0xC000  }
0x1ff: {  	[sflag:s8] =	ssyncset.done $0x0  }
0x200: {  	[sflag:s8] =	ssyncadd.s32 $0xFFFF4000  }
0x201: {  	v3 =	vld [tilespmem:$0x180];
	_ =	sdelay $0x4  }
0x202: {  	v56 =	vshrl.u32 v3, $0x3  }
0x203: {  	v4 =	vmul.u32 $0x30, v56  }
0x204: {  	v3 =	vand.u32 $0x7, v3  }
0x205: {  	v3 =	vor.u32 v3, v4  }
0x206: {  	v4 =	vperm.xlane v3, v0;
	_ =	sdelay $0x1  }
0x207: {  	v4 =	vadd.s32 v1, v4;
	_ =	sdelay $0x3  }
0x208: {  	v3 =	vperm.xlane v3, v2  }
0x209: {  	[tilespmem:s16], [sflag:$0x1] =	stream.indirect_vreg.gather [hbm4b:s1+s3], $0x80, v4, vm0, $0xb8;
	[tilespmem:$0x18200] =	vst v63  }
0x20a: {  	s0 =	simm.s32 $0xA00;
	v3 =	vadd.s32 v1, v3  }
0x20b: {  	[tilespmem:s0], [sflag:$0x1] =	stream.indirect_vreg.gather [hbm4b:s5+s3], $0x80, v4, vm0, $0xb8;
	[tilespmem:$0x18200] =	vst v63  }
0x20c: {  	s2 =	simm.s32 $0x1200  }
0x20d: {  	[tilespmem:s2], [sflag:$0x1] =	stream.indirect_vreg.gather [hbm4b:s6+s3], $0x80, v4, vm0, $0xb8;
	[tilespmem:$0x18200] =	vst v63  }
0x20e: {  	s9 =	simm.s32 $0x1A00  }
0x20f: {  	[tilespmem:s9], [sflag:$0x1] =	stream.indirect_vreg.gather [hbm4b:s1+s3], $0x80, v3, vm0, $0xb8;
	[tilespmem:$0x18200] =	vst v63  }
0x210: {  	s17 =	simm.s32 $0x2200  }
0x211: {  	[tilespmem:s17], [sflag:$0x1] =	stream.indirect_vreg.gather [hbm4b:s5+s3], $0x80, v3, vm0, $0xb8;
	[tilespmem:$0x18200] =	vst v63  }
0x212: {  	s12 =	simm.s32 $0x2A00  }
0x213: {  	[tilespmem:s12], [sflag:$0x1] =	stream.indirect_vreg.gather [hbm4b:s6+s3], $0x80, v3, vm0, $0xb8;
	[tilespmem:$0x18200] =	vst v63  }
0x214: {  	v3 =	vld [tilespmem:$0x190];
	_ =	sdelay $0x4  }
0x215: {  	v57 =	vshrl.u32 v3, $0x3  }
0x216: {  	v4 =	vmul.u32 $0x30, v57  }
0x217: {  	v3 =	vand.u32 $0x7, v3  }
0x218: {  	v3 =	vor.u32 v3, v4  }
0x219: {  	v4 =	vperm.xlane v3, v0;
	_ =	sdelay $0x1  }
0x21a: {  	v4 =	vadd.s32 v1, v4;
	_ =	sdelay $0x3  }
0x21b: {  	s17 =	simm.s32 $0x3200;
	v3 =	vperm.xlane v3, v2  }
0x21c: {  	[tilespmem:s17], [sflag:$0x1] =	stream.indirect_vreg.gather [hbm4b:s1+s3], $0x80, v4, vm0, $0xb8;
	[tilespmem:$0x18200] =	vst v63  }
0x21d: {  	s20 =	simm.s32 $0x3A00;
	v3 =	vadd.s32 v1, v3  }
0x21e: {  	[tilespmem:s20], [sflag:$0x1] =	stream.indirect_vreg.gather [hbm4b:s5+s3], $0x80, v4, vm0, $0xb8;
	[tilespmem:$0x18200] =	vst v63  }
0x21f: {  	s21 =	simm.s32 $0x4200  }
0x220: {  	[tilespmem:s21], [sflag:$0x1] =	stream.indirect_vreg.gather [hbm4b:s6+s3], $0x80, v4, vm0, $0xb8;
	[tilespmem:$0x18200] =	vst v63  }
0x221: {  	s22 =	simm.s32 $0x4A00  }
0x222: {  	[tilespmem:s22], [sflag:$0x1] =	stream.indirect_vreg.gather [hbm4b:s1+s3], $0x80, v3, vm0, $0xb8;
	[tilespmem:$0x18200] =	vst v63  }
0x223: {  	s23 =	simm.s32 $0x5200  }
0x224: {  	[tilespmem:s23], [sflag:$0x1] =	stream.indirect_vreg.gather [hbm4b:s5+s3], $0x80, v3, vm0, $0xb8;
	[tilespmem:$0x18200] =	vst v63  }
0x225: {  	s22 =	simm.s32 $0x5A00  }
0x226: {  	[tilespmem:s22], [sflag:$0x1] =	stream.indirect_vreg.gather [hbm4b:s6+s3], $0x80, v3, vm0, $0xb8;
	[tilespmem:$0x18200] =	vst v63  }
0x227: {  	v3 =	vld [tilespmem:$0x1A0];
	_ =	sdelay $0x4  }
0x228: {  	v58 =	vshrl.u32 v3, $0x3  }
0x229: {  	v4 =	vmul.u32 $0x30, v58  }
0x22a: {  	v3 =	vand.u32 $0x7, v3  }
0x22b: {  	v3 =	vor.u32 v3, v4  }
0x22c: {  	v4 =	vperm.xlane v3, v0;
	_ =	sdelay $0x1  }
0x22d: {  	v4 =	vadd.s32 v1, v4;
	_ =	sdelay $0x3  }
0x22e: {  	s23 =	simm.s32 $0x6200;
	v3 =	vperm.xlane v3, v2  }
0x22f: {  	[tilespmem:s23], [sflag:$0x1] =	stream.indirect_vreg.gather [hbm4b:s1+s3], $0x80, v4, vm0, $0xb8;
	[tilespmem:$0x18200] =	vst v63  }
0x230: {  	s24 =	simm.s32 $0x6A00;
	v3 =	vadd.s32 v1, v3  }
0x231: {  	[tilespmem:s24], [sflag:$0x1] =	stream.indirect_vreg.gather [hbm4b:s5+s3], $0x80, v4, vm0, $0xb8;
	[tilespmem:$0x18200] =	vst v63  }
0x232: {  	s25 =	simm.s32 $0x7200  }
0x233: {  	[tilespmem:s25], [sflag:$0x1] =	stream.indirect_vreg.gather [hbm4b:s6+s3], $0x80, v4, vm0, $0xb8;
	[tilespmem:$0x18200] =	vst v63  }
0x234: {  	s26 =	simm.s32 $0x7A00  }
0x235: {  	[tilespmem:s26], [sflag:$0x1] =	stream.indirect_vreg.gather [hbm4b:s1+s3], $0x80, v3, vm0, $0xb8;
	[tilespmem:$0x18200] =	vst v63  }
0x236: {  	s28 =	simm.s32 $0x8200  }
0x237: {  	[tilespmem:s28], [sflag:$0x1] =	stream.indirect_vreg.gather [hbm4b:s5+s3], $0x80, v3, vm0, $0xb8;
	[tilespmem:$0x18200] =	vst v63  }
0x238: {  	s26 =	simm.s32 $0x8A00  }
0x239: {  	[tilespmem:s26], [sflag:$0x1] =	stream.indirect_vreg.gather [hbm4b:s6+s3], $0x80, v3, vm0, $0xb8;
	[tilespmem:$0x18200] =	vst v63  }
0x23a: {  	v3 =	vld [tilespmem:$0x1B0];
	_ =	sdelay $0x4  }
0x23b: {  	v59 =	vshrl.u32 v3, $0x3  }
0x23c: {  	v4 =	vmul.u32 $0x30, v59  }
0x23d: {  	v3 =	vand.u32 $0x7, v3  }
0x23e: {  	v3 =	vor.u32 v3, v4  }
0x23f: {  	v4 =	vperm.xlane v3, v0;
	_ =	sdelay $0x1  }
0x240: {  	v4 =	vadd.s32 v1, v4;
	_ =	sdelay $0x3  }
0x241: {  	s28 =	simm.s32 $0x9200;
	v3 =	vperm.xlane v3, v2  }
0x242: {  	[tilespmem:s28], [sflag:$0x1] =	stream.indirect_vreg.gather [hbm4b:s1+s3], $0x80, v4, vm0, $0xb8;
	[tilespmem:$0x18200] =	vst v63  }
0x243: {  	s29 =	simm.s32 $0x9A00;
	v3 =	vadd.s32 v1, v3  }
0x244: {  	[tilespmem:s29], [sflag:$0x1] =	stream.indirect_vreg.gather [hbm4b:s5+s3], $0x80, v4, vm0, $0xb8;
	[tilespmem:$0x18200] =	vst v63  }
0x245: {  	s30 =	simm.s32 $0xA200  }
0x246: {  	[tilespmem:s30], [sflag:$0x1] =	stream.indirect_vreg.gather [hbm4b:s6+s3], $0x80, v4, vm0, $0xb8;
	[tilespmem:$0x18200] =	vst v63  }
0x247: {  	s13 =	simm.s32 $0xAA00  }
0x248: {  	[tilespmem:s13], [sflag:$0x1] =	stream.indirect_vreg.gather [hbm4b:s1+s3], $0x80, v3, vm0, $0xb8;
	[tilespmem:$0x18200] =	vst v63  }
0x249: {  	s14 =	simm.s32 $0xB200  }
0x24a: {  	[tilespmem:s14], [sflag:$0x1] =	stream.indirect_vreg.gather [hbm4b:s5+s3], $0x80, v3, vm0, $0xb8;
	[tilespmem:$0x18200] =	vst v63  }
0x24b: {  	s29 =	simm.s32 $0xBA00  }
0x24c: {  	[tilespmem:s29], [sflag:$0x1] =	stream.indirect_vreg.gather [hbm4b:s6+s3], $0x80, v3, vm0, $0xb8;
	[tilespmem:$0x18200] =	vst v63  }
0x24d: {  	_ =	swait.ge [sflag:s11], $0xC000  }
0x24e: {  	[sflag:s11] =	ssyncset.done $0x0  }
0x24f: {  	s30 =	rddreg [dreg:$0x9];
	[sflag:s11] =	ssyncadd.s32 $0xFFFF4000  }
0x250: {  	[hbm4b:s30+s3] =	stream.linear.scatter [tilespmem:s4], [sflag:$0x3], $0xC000, $0x38;
	[tilespmem:$0x18200] =	vst v63  }
0x251: {  	_ =	swait.ge [sflag:s8], $0xC000  }
0x252: {  	[sflag:s8] =	ssyncset.done $0x0  }
0x253: {  	[sflag:s8] =	ssyncadd.s32 $0xFFFF4000  }
0x254: {  	v3 =	vld [tilespmem:$0x1C0];
	_ =	sdelay $0x4  }
0x255: {  	v60 =	vshrl.u32 v3, $0x3  }
0x256: {  	v4 =	vmul.u32 $0x30, v60  }
0x257: {  	v3 =	vand.u32 $0x7, v3  }
0x258: {  	v3 =	vor.u32 v3, v4  }
0x259: {  	v4 =	vperm.xlane v3, v0;
	_ =	sdelay $0x1  }
0x25a: {  	v4 =	vadd.s32 v1, v4;
	_ =	sdelay $0x3  }
0x25b: {  	v3 =	vperm.xlane v3, v2  }
0x25c: {  	[tilespmem:s4], [sflag:$0x2] =	stream.indirect_vreg.gather [hbm4b:s1+s3], $0x80, v4, vm0, $0xb8;
	[tilespmem:$0x18200] =	vst v63  }
0x25d: {  	s31 =	simm.s32 $0xCA00;
	v3 =	vadd.s32 v1, v3  }
0x25e: {  	[tilespmem:s31], [sflag:$0x2] =	stream.indirect_vreg.gather [hbm4b:s5+s3], $0x80, v4, vm0, $0xb8;
	[tilespmem:$0x18200] =	vst v63  }
0x25f: {  	s15 =	simm.s32 $0xD200  }
0x260: {  	[tilespmem:s15], [sflag:$0x2] =	stream.indirect_vreg.gather [hbm4b:s6+s3], $0x80, v4, vm0, $0xb8;
	[tilespmem:$0x18200] =	vst v63  }
0x261: {  	s18 =	simm.s32 $0xDA00  }
0x262: {  	[tilespmem:s18], [sflag:$0x2] =	stream.indirect_vreg.gather [hbm4b:s1+s3], $0x80, v3, vm0, $0xb8;
	[tilespmem:$0x18200] =	vst v63  }
0x263: {  	s19 =	simm.s32 $0xE200  }
0x264: {  	[tilespmem:s19], [sflag:$0x2] =	stream.indirect_vreg.gather [hbm4b:s5+s3], $0x80, v3, vm0, $0xb8;
	[tilespmem:$0x18200] =	vst v63  }
0x265: {  	s31 =	simm.s32 $0xEA00  }
0x266: {  	[tilespmem:s31], [sflag:$0x2] =	stream.indirect_vreg.gather [hbm4b:s6+s3], $0x80, v3, vm0, $0xb8;
	[tilespmem:$0x18200] =	vst v63  }
0x267: {  	v3 =	vld [tilespmem:$0x1D0];
	_ =	sdelay $0x4  }
0x268: {  	v61 =	vshrl.u32 v3, $0x3  }
0x269: {  	v4 =	vmul.u32 $0x30, v61  }
0x26a: {  	v3 =	vand.u32 $0x7, v3  }
0x26b: {  	v3 =	vor.u32 v3, v4  }
0x26c: {  	v4 =	vperm.xlane v3, v0;
	_ =	sdelay $0x1  }
0x26d: {  	v4 =	vadd.s32 v1, v4;
	_ =	sdelay $0x3  }
0x26e: {  	s2 =	simm.s32 $0xF200;
	v3 =	vperm.xlane v3, v2  }
0x26f: {  	[tilespmem:s2], [sflag:$0x2] =	stream.indirect_vreg.gather [hbm4b:s1+s3], $0x80, v4, vm0, $0xb8;
	[tilespmem:$0x18200] =	vst v63  }
0x270: {  	s9 =	simm.s32 $0xFA00;
	v3 =	vadd.s32 v1, v3  }
0x271: {  	[tilespmem:s9], [sflag:$0x2] =	stream.indirect_vreg.gather [hbm4b:s5+s3], $0x80, v4, vm0, $0xb8;
	[tilespmem:$0x18200] =	vst v63  }
0x272: {  	s12 =	simm.s32 $0x10200  }
0x273: {  	[tilespmem:s12], [sflag:$0x2] =	stream.indirect_vreg.gather [hbm4b:s6+s3], $0x80, v4, vm0, $0xb8;
	[tilespmem:$0x18200] =	vst v63  }
0x274: {  	s13 =	simm.s32 $0x10A00  }
0x275: {  	[tilespmem:s13], [sflag:$0x2] =	stream.indirect_vreg.gather [hbm4b:s1+s3], $0x80, v3, vm0, $0xb8;
	[tilespmem:$0x18200] =	vst v63  }
0x276: {  	s14 =	simm.s32 $0x11200  }
0x277: {  	[tilespmem:s14], [sflag:$0x2] =	stream.indirect_vreg.gather [hbm4b:s5+s3], $0x80, v3, vm0, $0xb8;
	[tilespmem:$0x18200] =	vst v63  }
0x278: {  	s15 =	simm.s32 $0x11A00  }
0x279: {  	[tilespmem:s15], [sflag:$0x2] =	stream.indirect_vreg.gather [hbm4b:s6+s3], $0x80, v3, vm0, $0xb8;
	[tilespmem:$0x18200] =	vst v63  }
0x27a: {  	v3 =	vld [tilespmem:$0x1E0];
	_ =	sdelay $0x4  }
0x27b: {  	v62 =	vshrl.u32 v3, $0x3  }
0x27c: {  	v4 =	vmul.u32 $0x30, v62  }
0x27d: {  	v3 =	vand.u32 $0x7, v3  }
0x27e: {  	v3 =	vor.u32 v3, v4  }
0x27f: {  	v4 =	vperm.xlane v3, v0;
	_ =	sdelay $0x1  }
0x280: {  	v4 =	vadd.s32 v1, v4;
	_ =	sdelay $0x3  }
0x281: {  	s17 =	simm.s32 $0x12200;
	v3 =	vperm.xlane v3, v2  }
0x282: {  	[tilespmem:s17], [sflag:$0x2] =	stream.indirect_vreg.gather [hbm4b:s1+s3], $0x80, v4, vm0, $0xb8;
	[tilespmem:$0x18200] =	vst v63  }
0x283: {  	s18 =	simm.s32 $0x12A00;
	v3 =	vadd.s32 v1, v3  }
0x284: {  	[tilespmem:s18], [sflag:$0x2] =	stream.indirect_vreg.gather [hbm4b:s5+s3], $0x80, v4, vm0, $0xb8;
	[tilespmem:$0x18200] =	vst v63  }
0x285: {  	s19 =	simm.s32 $0x13200  }
0x286: {  	[tilespmem:s19], [sflag:$0x2] =	stream.indirect_vreg.gather [hbm4b:s6+s3], $0x80, v4, vm0, $0xb8;
	[tilespmem:$0x18200] =	vst v63  }
0x287: {  	s20 =	simm.s32 $0x13A00  }
0x288: {  	[tilespmem:s20], [sflag:$0x2] =	stream.indirect_vreg.gather [hbm4b:s1+s3], $0x80, v3, vm0, $0xb8;
	[tilespmem:$0x18200] =	vst v63  }
0x289: {  	s21 =	simm.s32 $0x14200  }
0x28a: {  	[tilespmem:s21], [sflag:$0x2] =	stream.indirect_vreg.gather [hbm4b:s5+s3], $0x80, v3, vm0, $0xb8;
	[tilespmem:$0x18200] =	vst v63  }
0x28b: {  	s22 =	simm.s32 $0x14A00  }
0x28c: {  	[tilespmem:s22], [sflag:$0x2] =	stream.indirect_vreg.gather [hbm4b:s6+s3], $0x80, v3, vm0, $0xb8;
	[tilespmem:$0x18200] =	vst v63  }
0x28d: {  	v3 =	vld [tilespmem:$0x1F0];
	_ =	sdelay $0x4  }
0x28e: {  	v63 =	vshrl.u32 v3, $0x3  }
0x28f: {  	v4 =	vmul.u32 $0x30, v63  }
0x290: {  	v3 =	vand.u32 $0x7, v3  }
0x291: {  	v3 =	vor.u32 v3, v4  }
0x292: {  	v4 =	vperm.xlane v3, v0;
	_ =	sdelay $0x1  }
0x293: {  	v4 =	vadd.s32 v1, v4;
	_ =	sdelay $0x3  }
0x294: {  	s23 =	simm.s32 $0x15200;
	v3 =	vperm.xlane v3, v2  }
0x295: {  	[tilespmem:s23], [sflag:$0x2] =	stream.indirect_vreg.gather [hbm4b:s1+s3], $0x80, v4, vm0, $0xb8;
	[tilespmem:$0x18200] =	vst v63  }
0x296: {  	s24 =	simm.s32 $0x15A00;
	v3 =	vadd.s32 v1, v3  }
0x297: {  	[tilespmem:s24], [sflag:$0x2] =	stream.indirect_vreg.gather [hbm4b:s5+s3], $0x80, v4, vm0, $0xb8;
	[tilespmem:$0x18200] =	vst v63  }
0x298: {  	s25 =	simm.s32 $0x16200  }
0x299: {  	[tilespmem:s25], [sflag:$0x2] =	stream.indirect_vreg.gather [hbm4b:s6+s3], $0x80, v4, vm0, $0xb8;
	[tilespmem:$0x18200] =	vst v63  }
0x29a: {  	s26 =	simm.s32 $0x16A00  }
0x29b: {  	[tilespmem:s26], [sflag:$0x2] =	stream.indirect_vreg.gather [hbm4b:s1+s3], $0x80, v3, vm0, $0xb8;
	[tilespmem:$0x18200] =	vst v63  }
0x29c: {  	s28 =	simm.s32 $0x17200  }
0x29d: {  	[tilespmem:s28], [sflag:$0x2] =	stream.indirect_vreg.gather [hbm4b:s5+s3], $0x80, v3, vm0, $0xb8;
	[tilespmem:$0x18200] =	vst v63  }
0x29e: {  	s29 =	simm.s32 $0x17A00  }
0x29f: {  	[tilespmem:s29], [sflag:$0x2] =	stream.indirect_vreg.gather [hbm4b:s6+s3], $0x80, v3, vm0, $0xb8;
	[tilespmem:$0x18200] =	vst v63  }
0x2a0: {  	_ =	swait.ge [sflag:s10], $0xC000  }
0x2a1: {  	[sflag:s10] =	ssyncset.done $0x0  }
0x2a2: {  	s30 =	rddreg [dreg:$0xa];
	[sflag:s10] =	ssyncadd.s32 $0xFFFF4000  }
0x2a3: {  	[hbm4b:s30+s3] =	stream.linear.scatter [tilespmem:s16], [sflag:$0x3], $0xC000, $0x38;
	[tilespmem:$0x18200] =	vst v63  }
0x2a4: {  	_ =	swait.ge [sflag:s8], $0xC000  }
0x2a5: {  	[sflag:s8] =	ssyncset.done $0x0  }
0x2a6: {  	[sflag:s8] =	ssyncadd.s32 $0xFFFF4000  }
0x2a7: {  	_ =	swait.ge [sflag:s11], $0xC000  }
0x2a8: {  	p0 =	sne.s32 s7, $0x1;
	[sflag:s11] =	ssyncset.done $0x0  }
.Ltmp0:
0x2a9: {  	s31 =	rddreg [dreg:$0xb];
	[sflag:s11] =	ssyncadd.s32 $0xFFFF4000;
	(pc) =	sbr.rel @p0 .LBB2_1-.Ltmp0, $4  }
0x2aa: {  	[hbm4b:s31+s3] =	stream.linear.scatter [tilespmem:s4], [sflag:$0x3], $0xC000, $0x38;
	[tilespmem:$0x18200] =	vst v63  }
0x2ab: {  	_ =	swait.ge [sflag:s8], $0xC000  }
0x2ac: {  	[sflag:s8] =	ssyncset.done $0x0  }
0x2ad: {  	s7 =	sadd.s32 $0xFFFFFFFF, s7;
	[sflag:s8] =	ssyncadd.s32 $0xFFFF4000  }
0x2ae: {  	_ =	sfence.sel $0x180000  }
0x2af: {  	[bflag:$0x0] =	sbarrier.arrive $0xFFFF  }
0x2b0: {  	_ =	strace $0x90000047  }
0x2b1: {  	s0 =	stileid.u32;
	[bflag:$0x2] =	sbarrier.arrive $0xFFFF  }
0x2b2: {  	p0 =	sne.s32 s0, $0x0;
	s0 =	rddreg [dreg:$0x3]  }
0x2b3: {  	s0 =	sadd.s32 @!p0 $0x100000, s0  }
0x2b4: {  	[sflag:s0] =	ssyncadd.tile.s32 @!p0 $0x1;
	_ =	shalt  }
.Lfunc_end2:
_tile_overlayer_lowered:
.L_overlay_start_2:
0x2b5: {  	(tag) =	ssettag $0x2  }
0x2b6: {  	s0 =	rddreg [dreg:$0x0];
	s2 =	stileid.u32  }
0x2b7: {  	s1 =	rddreg [dreg:$0x1];
	p0 =	sne.s32 s2, $0x0  }
0x2b8: {  	s3 =	rddreg [dreg:$0x2];
	[bflag:$0x3] =	sbarrier.arrive $0xFFFF;
	s2 =	simm.s32 @!p0 $0x1C03  }
0x2b9: {  	[timem:s3], [sflag:s2] =	dma.local @!p0 [hbm:s0], s1  }
0x2ba: {  	s0 =	simm.s32 @!p0 $0x3  }
0x2bb: {  	_ =	swait.ge @!p0 [sflag:s0], s1  }
0x2bc: {  	s1 =	ssub.s32 @!p0 $0x0, s1;
	[sflag:s0] =	ssyncset.done @!p0 $0x0  }
0x2bd: {  	[sflag:s0] =	ssyncadd.s32 @!p0 s1  }
0x2be: {  	[bflag:$0x3] =	sbarrier.arrive $0xFFFF  }
0x2bf: {  	_ =	shalt  }

</sc_bundles>
